<compile_context>
chip_gen: v7x
topology: tpu7x:2x2x1
jax: 0.10.2.dev20260603
libtpu: 0.0.44.dev20260713+nightly
codegen_flags: <defaults>
</compile_context>

<pallas_src>
import functools

import jax
import jax.numpy as jnp
from jax import lax
from jax.experimental import pallas as pl
from jax.experimental.pallas import tpu as pltpu
from jax.experimental.pallas import tpu_sc as plsc

NC = 2
NS = 16
L = 16
NW = NC * NS


@functools.lru_cache(maxsize=None)
def _build(B, D):
    assert B % NW == 0
    bpw = B // NW
    chunk = min(128, bpw)
    nchunk = bpw // chunk
    assert bpw % chunk == 0 and D % L == 0 and D % 8 == 0

    mesh = plsc.VectorSubcoreMesh(
        core_axis_name="c", subcore_axis_name="s",
        num_cores=NC, num_subcores=NS,
    )

    @functools.partial(
        pl.kernel,
        out_type=jax.ShapeDtypeStruct((B,), jnp.float32),
        mesh=mesh,
        compiler_params=pltpu.CompilerParams(needs_layout_passes=False),
        scratch_types=[
            pltpu.VMEM((bpw,), jnp.int32),
            pltpu.VMEM((bpw,), jnp.int32),
            pltpu.VMEM((chunk, D), jnp.float32),
            pltpu.VMEM((chunk, D), jnp.float32),
            pltpu.VMEM((chunk, D), jnp.float32),
            pltpu.VMEM((chunk, D), jnp.float32),
            pltpu.VMEM((chunk,), jnp.float32),
            pltpu.VMEM((chunk,), jnp.float32),
            pltpu.VMEM((chunk,), jnp.float32),
            pltpu.VMEM((chunk,), jnp.float32),
            pltpu.VMEM((bpw,), jnp.float32),
            pltpu.VMEM((L,), jnp.float32),
            pltpu.SemaphoreType.DMA,
            pltpu.SemaphoreType.DMA,
        ],
    )
    def mf_kernel(uidx_hbm, iidx_hbm, uemb_hbm, iemb_hbm, ubias_hbm,
                  ibias_hbm, mu_hbm, out_hbm,
                  uidx_v, iidx_v, ur0, ur1, ir0, ir1, ub0, ub1, ib0, ib1,
                  out_v, mu_v, sem0, sem1):
        wid = lax.axis_index("s") * NC + lax.axis_index("c")
        base = wid * bpw
        urows = (ur0, ur1)
        irows = (ir0, ir1)
        ubs = (ub0, ub1)
        ibs = (ib0, ib1)
        sems = (sem0, sem1)

        pltpu.sync_copy(mu_hbm, mu_v)
        mu = mu_v[...]
        pltpu.sync_copy(uidx_hbm.at[pl.ds(base, bpw)], uidx_v)
        pltpu.sync_copy(iidx_hbm.at[pl.ds(base, bpw)], iidx_v)

        def fire(k):
            p = k % 2
            sl = pl.ds(k * chunk, chunk)
            s = sems[p]
            return [
                pltpu.async_copy(uemb_hbm.at[uidx_v.at[sl]], urows[p], s),
                pltpu.async_copy(iemb_hbm.at[iidx_v.at[sl]], irows[p], s),
                pltpu.async_copy(ubias_hbm.at[uidx_v.at[sl]], ubs[p], s),
                pltpu.async_copy(ibias_hbm.at[iidx_v.at[sl]], ibs[p], s),
            ]

        cps = fire(0)
        lanes = lax.iota(jnp.int32, L)
        zero = jnp.zeros((L,), jnp.float32)
        for k in range(nchunk):
            nxt = fire(k + 1) if k + 1 < nchunk else None
            for cp in cps:
                cp.wait()
            p = k % 2
            ur, ir, ub, ib = urows[p], irows[p], ubs[p], ibs[p]

            def group_body(g, _):
                goff = pl.multiple_of(g * L, L)
                rows = goff + lanes

                def d_body(j, accs):
                    a0, a1, a2, a3 = accs
                    d0 = j * 8
                    ps = []
                    for q in range(8):
                        dv = jnp.full((L,), d0 + q, jnp.int32)
                        u = plsc.load_gather(ur, [rows, dv])
                        iv = plsc.load_gather(ir, [rows, dv])
                        ps.append(u * iv)
                    return (a0 + (ps[0] + ps[1]), a1 + (ps[2] + ps[3]),
                            a2 + (ps[4] + ps[5]), a3 + (ps[6] + ps[7]))

                a0, a1, a2, a3 = lax.fori_loop(0, D // 8, d_body,
                                               (zero, zero, zero, zero))
                acc = (a0 + a1) + (a2 + a3)
                out_v[pl.ds(k * chunk + goff, L)] = (
                    acc + ub[pl.ds(goff, L)] + ib[pl.ds(goff, L)] + mu)
                return 0

            lax.fori_loop(0, chunk // L, group_body, 0)
            cps = nxt

        pltpu.sync_copy(out_v, out_hbm.at[pl.ds(base, bpw)])

    return mf_kernel


def kernel(user_indices, item_indices, user_emb, item_emb, user_bias,
           item_bias, mu):
    B = user_indices.shape[0]
    D = user_emb.shape[1]
    fn = _build(B, D)
    return fn(user_indices.astype(jnp.int32), item_indices.astype(jnp.int32),
              user_emb, item_emb, user_bias.reshape(-1),
              item_bias.reshape(-1), jnp.broadcast_to(mu, (L,)))

# --- scband reference (transcript-rebuilt; emitter-appended) ---
"""Pipeline reference for scband-mf-5033701671506 (READ-ONLY COPY).

The authoritative reference and input builder live on the scoring server;
editing this copy changes nothing except your own understanding.
"""

import jax, jax.numpy as jnp
import numpy as np

N_USERS = 100000
N_ITEMS = 1000000
D = 128
B = 16384

def setup_inputs(seed: int = 0) -> dict:
    key = jax.random.key(seed)
    k1, k2, k3, k4 = jax.random.split(key, 4)
    user_indices = jax.random.randint(k1, (B,), 0, N_USERS, dtype=jnp.int64 if jax.config.jax_enable_x64 else jnp.int32)
    item_indices = jax.random.randint(k2, (B,), 0, N_ITEMS, dtype=jnp.int64 if jax.config.jax_enable_x64 else jnp.int32)
    user_emb = jax.random.normal(k3, (N_USERS, D), dtype=jnp.float32) * 0.1
    item_emb = jax.random.normal(k4, (N_ITEMS, D), dtype=jnp.float32) * 0.1
    user_bias = jnp.zeros((N_USERS, 1), dtype=jnp.float32)
    item_bias = jnp.zeros((N_ITEMS, 1), dtype=jnp.float32)
    mu = jnp.zeros((1,), dtype=jnp.float32)
    return {
        "user_indices": user_indices,
        "item_indices": item_indices,
        "user_emb": user_emb,
        "item_emb": item_emb,
        "user_bias": user_bias,
        "item_bias": item_bias,
        "mu": mu,
    }

def reference(user_indices, item_indices, user_emb, item_emb, user_bias, item_bias, mu):
    ue = jnp.take(user_emb, user_indices, axis=0)          # [B, D]
    ie = jnp.take(item_emb, item_indices, axis=0)          # [B, D]
    ub = jnp.take(user_bias, user_indices, axis=0)         # [B, 1]
    ib = jnp.take(item_bias, item_indices, axis=0)         # [B, 1]
    return jnp.sum(ue * ie, axis=1) + ub.reshape(-1) + ib.reshape(-1) + mu

if __name__ == "__main__":
    import jax
    _d = setup_inputs()
    print(jax.jit(kernel)(*tuple(_d.values())))

</pallas_src>

<mosaic_0001>
#map = affine_map<(d0, d1) -> (0)>
#map1 = affine_map<(d0, d1) -> (0, 0)>
module attributes {stable_mosaic.version = 14 : i64} {
  func.func @mf_kernel(%arg0: i32, %arg1: i32, %arg2: memref<16384xi32, #tpu.memory_space<hbm>>, %arg3: memref<16384xi32, #tpu.memory_space<hbm>>, %arg4: memref<100000x128xf32, #tpu.memory_space<hbm>>, %arg5: memref<1000000x128xf32, #tpu.memory_space<hbm>>, %arg6: memref<100000xf32, #tpu.memory_space<hbm>>, %arg7: memref<1000000xf32, #tpu.memory_space<hbm>>, %arg8: memref<16xf32, #tpu.memory_space<hbm>>, %arg9: memref<16384xf32, #tpu.memory_space<hbm>>, %arg10: memref<512xi32, #tpu.memory_space<vmem>>, %arg11: memref<512xi32, #tpu.memory_space<vmem>>, %arg12: memref<128x128xf32, #tpu.memory_space<vmem>>, %arg13: memref<128x128xf32, #tpu.memory_space<vmem>>, %arg14: memref<128x128xf32, #tpu.memory_space<vmem>>, %arg15: memref<128x128xf32, #tpu.memory_space<vmem>>, %arg16: memref<128xf32, #tpu.memory_space<vmem>>, %arg17: memref<128xf32, #tpu.memory_space<vmem>>, %arg18: memref<128xf32, #tpu.memory_space<vmem>>, %arg19: memref<128xf32, #tpu.memory_space<vmem>>, %arg20: memref<512xf32, #tpu.memory_space<vmem>>, %arg21: memref<16xf32, #tpu.memory_space<vmem>>, %arg22: memref<!tpu.dma_semaphore, #tpu.memory_space<semaphore_mem>>, %arg23: memref<!tpu.dma_semaphore, #tpu.memory_space<semaphore_mem>>) attributes {dimension_semantics = [#tpu.dimension_semantics<core_parallel>, #tpu.dimension_semantics<subcore_parallel>], iteration_bounds = array<i64: 2, 16>, scalar_prefetch = 0 : i64, scratch_operands = 14 : i64, tpu.core_type = #tpu.core_type<sc_vector_subcore>, window_params = [{transform_indices = #map}, {transform_indices = #map}, {transform_indices = #map1}, {transform_indices = #map1}, {transform_indices = #map}, {transform_indices = #map}, {transform_indices = #map}, {transform_indices = #map}]} {
    %mul3A = arith.constant 2 : i32
    %mul3A_0 = arith.muli %arg1, %mul3A : i32
    %add3A = arith.addi %mul3A_0, %arg0 : i32
    %mul3A_1 = arith.constant 512 : i32
    %mul3A_2 = arith.muli %add3A, %mul3A_1 : i32
    "tpu.region"() ({
      %run_scoped3A = tpu.sem_alloc : memref<!tpu.dma_semaphore, #tpu.memory_space<semaphore_mem>>
      tpu.enqueue_dma source(%arg8 : memref<16xf32, #tpu.memory_space<hbm>>) target(%arg21 : memref<16xf32, #tpu.memory_space<vmem>>) target_semaphore(%run_scoped3A : memref<!tpu.dma_semaphore, #tpu.memory_space<semaphore_mem>>)
      tpu.wait_dma2 semaphore(%run_scoped3A : memref<!tpu.dma_semaphore, #tpu.memory_space<semaphore_mem>>) src(%arg8 : memref<16xf32, #tpu.memory_space<hbm>>) dst(%arg21 : memref<16xf32, #tpu.memory_space<vmem>>)
      tpu.yield
    }) : () -> ()
    %get3A = arith.constant 0 : index
    %get3A_3 = tpu.vector_load %arg21[%get3A] {strides = array<i32>} : memref<16xf32, #tpu.memory_space<vmem>>, vector<16xf32>,
    "tpu.region"() ({
      %run_scoped3A = tpu.sem_alloc : memref<!tpu.dma_semaphore, #tpu.memory_space<semaphore_mem>>
      %dma_start3A_174 = tpu.memref_slice %arg2[%mul3A_2] : memref<16384xi32, #tpu.memory_space<hbm>> -> memref<512xi32, #tpu.memory_space<hbm>>
      %dma_start3A_175 = tpu.memref_slice %arg2[%mul3A_2] : memref<16384xi32, #tpu.memory_space<hbm>> -> memref<512xi32, #tpu.memory_space<hbm>>
      tpu.enqueue_dma source(%dma_start3A_175 : memref<512xi32, #tpu.memory_space<hbm>>) target(%arg10 : memref<512xi32, #tpu.memory_space<vmem>>) target_semaphore(%run_scoped3A : memref<!tpu.dma_semaphore, #tpu.memory_space<semaphore_mem>>)
      %dma_wait3A_176 = tpu.memref_slice %arg2[%mul3A_2] : memref<16384xi32, #tpu.memory_space<hbm>> -> memref<512xi32, #tpu.memory_space<hbm>>
      %dma_wait3A_177 = tpu.memref_slice %arg2[%mul3A_2] : memref<16384xi32, #tpu.memory_space<hbm>> -> memref<512xi32, #tpu.memory_space<hbm>>
      tpu.wait_dma2 semaphore(%run_scoped3A : memref<!tpu.dma_semaphore, #tpu.memory_space<semaphore_mem>>) src(%dma_wait3A_177 : memref<512xi32, #tpu.memory_space<hbm>>) dst(%arg10 : memref<512xi32, #tpu.memory_space<vmem>>)
      tpu.yield
    }) : () -> ()
    "tpu.region"() ({
      %run_scoped3A = tpu.sem_alloc : memref<!tpu.dma_semaphore, #tpu.memory_space<semaphore_mem>>
      %dma_start3A_174 = tpu.memref_slice %arg3[%mul3A_2] : memref<16384xi32, #tpu.memory_space<hbm>> -> memref<512xi32, #tpu.memory_space<hbm>>
      %dma_start3A_175 = tpu.memref_slice %arg3[%mul3A_2] : memref<16384xi32, #tpu.memory_space<hbm>> -> memref<512xi32, #tpu.memory_space<hbm>>
      tpu.enqueue_dma source(%dma_start3A_175 : memref<512xi32, #tpu.memory_space<hbm>>) target(%arg11 : memref<512xi32, #tpu.memory_space<vmem>>) target_semaphore(%run_scoped3A : memref<!tpu.dma_semaphore, #tpu.memory_space<semaphore_mem>>)
      %dma_wait3A_176 = tpu.memref_slice %arg3[%mul3A_2] : memref<16384xi32, #tpu.memory_space<hbm>> -> memref<512xi32, #tpu.memory_space<hbm>>
      %dma_wait3A_177 = tpu.memref_slice %arg3[%mul3A_2] : memref<16384xi32, #tpu.memory_space<hbm>> -> memref<512xi32, #tpu.memory_space<hbm>>
      tpu.wait_dma2 semaphore(%run_scoped3A : memref<!tpu.dma_semaphore, #tpu.memory_space<semaphore_mem>>) src(%dma_wait3A_177 : memref<512xi32, #tpu.memory_space<hbm>>) dst(%arg11 : memref<512xi32, #tpu.memory_space<vmem>>)
      tpu.yield
    }) : () -> ()
    %dma_start3A = arith.constant 0 : i32
    %dma_start3A_4 = tpu.memref_slice %arg10[%dma_start3A] : memref<512xi32, #tpu.memory_space<vmem>> -> memref<128xi32, #tpu.memory_space<vmem>>
    %dma_start3A_5 = arith.constant 0 : i32
    %dma_start3A_6 = arith.constant 0 : i32
    %dma_start3A_7 = tpu.memref_slice %arg4[%dma_start3A_5, %dma_start3A_6] : memref<100000x128xf32, #tpu.memory_space<hbm>> -> memref<100000x128xf32, #tpu.memory_space<hbm>>
    tpu.enqueue_indirect_dma source(%dma_start3A_7 : memref<100000x128xf32, #tpu.memory_space<hbm>>) target(%arg12 : memref<128x128xf32, #tpu.memory_space<vmem>>) offsets(%dma_start3A_4 : memref<128xi32, #tpu.memory_space<vmem>>) semaphore(%arg22 : memref<!tpu.dma_semaphore, #tpu.memory_space<semaphore_mem>>)
    %dma_start3A_8 = arith.constant 0 : i32
    %dma_start3A_9 = tpu.memref_slice %arg11[%dma_start3A_8] : memref<512xi32, #tpu.memory_space<vmem>> -> memref<128xi32, #tpu.memory_space<vmem>>
    %dma_start3A_10 = arith.constant 0 : i32
    %dma_start3A_11 = arith.constant 0 : i32
    %dma_start3A_12 = tpu.memref_slice %arg5[%dma_start3A_10, %dma_start3A_11] : memref<1000000x128xf32, #tpu.memory_space<hbm>> -> memref<1000000x128xf32, #tpu.memory_space<hbm>>
    tpu.enqueue_indirect_dma source(%dma_start3A_12 : memref<1000000x128xf32, #tpu.memory_space<hbm>>) target(%arg14 : memref<128x128xf32, #tpu.memory_space<vmem>>) offsets(%dma_start3A_9 : memref<128xi32, #tpu.memory_space<vmem>>) semaphore(%arg22 : memref<!tpu.dma_semaphore, #tpu.memory_space<semaphore_mem>>)
    %dma_start3A_13 = arith.constant 0 : i32
    %dma_start3A_14 = tpu.memref_slice %arg10[%dma_start3A_13] : memref<512xi32, #tpu.memory_space<vmem>> -> memref<128xi32, #tpu.memory_space<vmem>>
    %dma_start3A_15 = arith.constant 0 : i32
    %dma_start3A_16 = tpu.memref_slice %arg6[%dma_start3A_15] : memref<100000xf32, #tpu.memory_space<hbm>> -> memref<100000xf32, #tpu.memory_space<hbm>>
    tpu.enqueue_indirect_dma source(%dma_start3A_16 : memref<100000xf32, #tpu.memory_space<hbm>>) target(%arg16 : memref<128xf32, #tpu.memory_space<vmem>>) offsets(%dma_start3A_14 : memref<128xi32, #tpu.memory_space<vmem>>) semaphore(%arg22 : memref<!tpu.dma_semaphore, #tpu.memory_space<semaphore_mem>>)
    %dma_start3A_17 = arith.constant 0 : i32
    %dma_start3A_18 = tpu.memref_slice %arg11[%dma_start3A_17] : memref<512xi32, #tpu.memory_space<vmem>> -> memref<128xi32, #tpu.memory_space<vmem>>
    %dma_start3A_19 = arith.constant 0 : i32
    %dma_start3A_20 = tpu.memref_slice %arg7[%dma_start3A_19] : memref<1000000xf32, #tpu.memory_space<hbm>> -> memref<1000000xf32, #tpu.memory_space<hbm>>
    tpu.enqueue_indirect_dma source(%dma_start3A_20 : memref<1000000xf32, #tpu.memory_space<hbm>>) target(%arg18 : memref<128xf32, #tpu.memory_space<vmem>>) offsets(%dma_start3A_18 : memref<128xi32, #tpu.memory_space<vmem>>) semaphore(%arg22 : memref<!tpu.dma_semaphore, #tpu.memory_space<semaphore_mem>>)
    %iota3A = tpu.iota {dimensions = array<i32: 0>} : vector<16xi32>
    %broadcast_in_dim3A = arith.constant 0.000000e+00 : f32
    %broadcast_in_dim3A_21 = vector.broadcast %broadcast_in_dim3A : f32 to vector<16xf32>
    %dma_start3A_22 = arith.constant 128 : i32
    %dma_start3A_23 = tpu.memref_slice %arg10[%dma_start3A_22] : memref<512xi32, #tpu.memory_space<vmem>> -> memref<128xi32, #tpu.memory_space<vmem>>
    %dma_start3A_24 = arith.constant 0 : i32
    %dma_start3A_25 = arith.constant 0 : i32
    %dma_start3A_26 = tpu.memref_slice %arg4[%dma_start3A_24, %dma_start3A_25] : memref<100000x128xf32, #tpu.memory_space<hbm>> -> memref<100000x128xf32, #tpu.memory_space<hbm>>
    tpu.enqueue_indirect_dma source(%dma_start3A_26 : memref<100000x128xf32, #tpu.memory_space<hbm>>) target(%arg13 : memref<128x128xf32, #tpu.memory_space<vmem>>) offsets(%dma_start3A_23 : memref<128xi32, #tpu.memory_space<vmem>>) semaphore(%arg23 : memref<!tpu.dma_semaphore, #tpu.memory_space<semaphore_mem>>)
    %dma_start3A_27 = arith.constant 128 : i32
    %dma_start3A_28 = tpu.memref_slice %arg11[%dma_start3A_27] : memref<512xi32, #tpu.memory_space<vmem>> -> memref<128xi32, #tpu.memory_space<vmem>>
    %dma_start3A_29 = arith.constant 0 : i32
    %dma_start3A_30 = arith.constant 0 : i32
    %dma_start3A_31 = tpu.memref_slice %arg5[%dma_start3A_29, %dma_start3A_30] : memref<1000000x128xf32, #tpu.memory_space<hbm>> -> memref<1000000x128xf32, #tpu.memory_space<hbm>>
    tpu.enqueue_indirect_dma source(%dma_start3A_31 : memref<1000000x128xf32, #tpu.memory_space<hbm>>) target(%arg15 : memref<128x128xf32, #tpu.memory_space<vmem>>) offsets(%dma_start3A_28 : memref<128xi32, #tpu.memory_space<vmem>>) semaphore(%arg23 : memref<!tpu.dma_semaphore, #tpu.memory_space<semaphore_mem>>)
    %dma_start3A_32 = arith.constant 128 : i32
    %dma_start3A_33 = tpu.memref_slice %arg10[%dma_start3A_32] : memref<512xi32, #tpu.memory_space<vmem>> -> memref<128xi32, #tpu.memory_space<vmem>>
    %dma_start3A_34 = arith.constant 0 : i32
    %dma_start3A_35 = tpu.memref_slice %arg6[%dma_start3A_34] : memref<100000xf32, #tpu.memory_space<hbm>> -> memref<100000xf32, #tpu.memory_space<hbm>>
    tpu.enqueue_indirect_dma source(%dma_start3A_35 : memref<100000xf32, #tpu.memory_space<hbm>>) target(%arg17 : memref<128xf32, #tpu.memory_space<vmem>>) offsets(%dma_start3A_33 : memref<128xi32, #tpu.memory_space<vmem>>) semaphore(%arg23 : memref<!tpu.dma_semaphore, #tpu.memory_space<semaphore_mem>>)
    %dma_start3A_36 = arith.constant 128 : i32
    %dma_start3A_37 = tpu.memref_slice %arg11[%dma_start3A_36] : memref<512xi32, #tpu.memory_space<vmem>> -> memref<128xi32, #tpu.memory_space<vmem>>
    %dma_start3A_38 = arith.constant 0 : i32
    %dma_start3A_39 = tpu.memref_slice %arg7[%dma_start3A_38] : memref<1000000xf32, #tpu.memory_space<hbm>> -> memref<1000000xf32, #tpu.memory_space<hbm>>
    tpu.enqueue_indirect_dma source(%dma_start3A_39 : memref<1000000xf32, #tpu.memory_space<hbm>>) target(%arg19 : memref<128xf32, #tpu.memory_space<vmem>>) offsets(%dma_start3A_37 : memref<128xi32, #tpu.memory_space<vmem>>) semaphore(%arg23 : memref<!tpu.dma_semaphore, #tpu.memory_space<semaphore_mem>>)
    %dma_wait3A = arith.constant 0 : i32
    %dma_wait3A_40 = tpu.memref_slice %arg10[%dma_wait3A] : memref<512xi32, #tpu.memory_space<vmem>> -> memref<128xi32, #tpu.memory_space<vmem>>
    %dma_wait3A_41 = arith.constant 0 : i32
    %dma_wait3A_42 = arith.constant 0 : i32
    %dma_wait3A_43 = tpu.memref_slice %arg4[%dma_wait3A_41, %dma_wait3A_42] : memref<100000x128xf32, #tpu.memory_space<hbm>> -> memref<100000x128xf32, #tpu.memory_space<hbm>>
    tpu.wait_indirect_dma semaphore(%arg22 : memref<!tpu.dma_semaphore, #tpu.memory_space<semaphore_mem>>) src(%dma_wait3A_43 : memref<100000x128xf32, #tpu.memory_space<hbm>>) dst(%arg12 : memref<128x128xf32, #tpu.memory_space<vmem>>)
    %dma_wait3A_44 = arith.constant 0 : i32
    %dma_wait3A_45 = tpu.memref_slice %arg11[%dma_wait3A_44] : memref<512xi32, #tpu.memory_space<vmem>> -> memref<128xi32, #tpu.memory_space<vmem>>
    %dma_wait3A_46 = arith.constant 0 : i32
    %dma_wait3A_47 = arith.constant 0 : i32
    %dma_wait3A_48 = tpu.memref_slice %arg5[%dma_wait3A_46, %dma_wait3A_47] : memref<1000000x128xf32, #tpu.memory_space<hbm>> -> memref<1000000x128xf32, #tpu.memory_space<hbm>>
    tpu.wait_indirect_dma semaphore(%arg22 : memref<!tpu.dma_semaphore, #tpu.memory_space<semaphore_mem>>) src(%dma_wait3A_48 : memref<1000000x128xf32, #tpu.memory_space<hbm>>) dst(%arg14 : memref<128x128xf32, #tpu.memory_space<vmem>>)
    %dma_wait3A_49 = arith.constant 0 : i32
    %dma_wait3A_50 = tpu.memref_slice %arg10[%dma_wait3A_49] : memref<512xi32, #tpu.memory_space<vmem>> -> memref<128xi32, #tpu.memory_space<vmem>>
    %dma_wait3A_51 = arith.constant 0 : i32
    %dma_wait3A_52 = tpu.memref_slice %arg6[%dma_wait3A_51] : memref<100000xf32, #tpu.memory_space<hbm>> -> memref<100000xf32, #tpu.memory_space<hbm>>
    tpu.wait_indirect_dma semaphore(%arg22 : memref<!tpu.dma_semaphore, #tpu.memory_space<semaphore_mem>>) src(%dma_wait3A_52 : memref<100000xf32, #tpu.memory_space<hbm>>) dst(%arg16 : memref<128xf32, #tpu.memory_space<vmem>>)
    %dma_wait3A_53 = arith.constant 0 : i32
    %dma_wait3A_54 = tpu.memref_slice %arg11[%dma_wait3A_53] : memref<512xi32, #tpu.memory_space<vmem>> -> memref<128xi32, #tpu.memory_space<vmem>>
    %dma_wait3A_55 = arith.constant 0 : i32
    %dma_wait3A_56 = tpu.memref_slice %arg7[%dma_wait3A_55] : memref<1000000xf32, #tpu.memory_space<hbm>> -> memref<1000000xf32, #tpu.memory_space<hbm>>
    tpu.wait_indirect_dma semaphore(%arg22 : memref<!tpu.dma_semaphore, #tpu.memory_space<semaphore_mem>>) src(%dma_wait3A_56 : memref<1000000xf32, #tpu.memory_space<hbm>>) dst(%arg18 : memref<128xf32, #tpu.memory_space<vmem>>)
    %scan3A = arith.constant 0 : i32
    %scan3A_57 = arith.constant 0 : i32
    %scan3A_58 = arith.constant 8 : i32
    %scan3A_59 = arith.addi %scan3A_57, %scan3A_58 : i32
    %scan3A_60 = arith.constant 1 : i32
    %scan3A_61 = scf.for %scan3A_174 = %scan3A_57 to %scan3A_59 step %scan3A_60 iter_args(%scan3A_175 = %scan3A) -> (i32)  : i32 {
      %mul3A_176 = arith.constant 16 : i32
      %mul3A_177 = arith.muli %scan3A_174, %mul3A_176 : i32
      %multiple_of3A = tpu.assume_multiple %mul3A_177, 16 : i32
      %add3A_178 = vector.broadcast %multiple_of3A : i32 to vector<16xi32>
      %add3A_179 = arith.addi %add3A_178, %iota3A : vector<16xi32>
      %scan3A_180 = arith.constant 0 : i32
      %scan3A_181 = arith.constant 16 : i32
      %scan3A_182 = arith.addi %scan3A_180, %scan3A_181 : i32
      %scan3A_183 = arith.constant 1 : i32
      %scan3A_184:4 = scf.for %scan3A_200 = %scan3A_180 to %scan3A_182 step %scan3A_183 iter_args(%scan3A_201 = %broadcast_in_dim3A_21, %scan3A_202 = %broadcast_in_dim3A_21, %scan3A_203 = %broadcast_in_dim3A_21, %scan3A_204 = %broadcast_in_dim3A_21) -> (vector<16xf32>, vector<16xf32>, vector<16xf32>, vector<16xf32>)  : i32 {
        %mul3A_205 = arith.constant 8 : i32
        %mul3A_206 = arith.muli %scan3A_200, %mul3A_205 : i32
        %add3A_207 = arith.constant 0 : i32
        %add3A_208 = arith.addi %mul3A_206, %add3A_207 : i32
        %broadcast_in_dim3A_209 = vector.broadcast %add3A_208 : i32 to vector<16xi32>
        %gather3A = tpu.vector_load_idx %arg12[%add3A_179, %broadcast_in_dim3A_209] : memref<128x128xf32, #tpu.memory_space<vmem>>[vector<16xi32>, vector<16xi32>], vector<16xf32>,
        %gather3A_210 = tpu.vector_load_idx %arg14[%add3A_179, %broadcast_in_dim3A_209] : memref<128x128xf32, #tpu.memory_space<vmem>>[vector<16xi32>, vector<16xi32>], vector<16xf32>,
        %mul3A_211 = arith.mulf %gather3A, %gather3A_210 : vector<16xf32>
        %add3A_212 = arith.constant 1 : i32
        %add3A_213 = arith.addi %mul3A_206, %add3A_212 : i32
        %broadcast_in_dim3A_214 = vector.broadcast %add3A_213 : i32 to vector<16xi32>
        %gather3A_215 = tpu.vector_load_idx %arg12[%add3A_179, %broadcast_in_dim3A_214] : memref<128x128xf32, #tpu.memory_space<vmem>>[vector<16xi32>, vector<16xi32>], vector<16xf32>,
        %gather3A_216 = tpu.vector_load_idx %arg14[%add3A_179, %broadcast_in_dim3A_214] : memref<128x128xf32, #tpu.memory_space<vmem>>[vector<16xi32>, vector<16xi32>], vector<16xf32>,
        %mul3A_217 = arith.mulf %gather3A_215, %gather3A_216 : vector<16xf32>
        %add3A_218 = arith.constant 2 : i32
        %add3A_219 = arith.addi %mul3A_206, %add3A_218 : i32
        %broadcast_in_dim3A_220 = vector.broadcast %add3A_219 : i32 to vector<16xi32>
        %gather3A_221 = tpu.vector_load_idx %arg12[%add3A_179, %broadcast_in_dim3A_220] : memref<128x128xf32, #tpu.memory_space<vmem>>[vector<16xi32>, vector<16xi32>], vector<16xf32>,
        %gather3A_222 = tpu.vector_load_idx %arg14[%add3A_179, %broadcast_in_dim3A_220] : memref<128x128xf32, #tpu.memory_space<vmem>>[vector<16xi32>, vector<16xi32>], vector<16xf32>,
        %mul3A_223 = arith.mulf %gather3A_221, %gather3A_222 : vector<16xf32>
        %add3A_224 = arith.constant 3 : i32
        %add3A_225 = arith.addi %mul3A_206, %add3A_224 : i32
        %broadcast_in_dim3A_226 = vector.broadcast %add3A_225 : i32 to vector<16xi32>
        %gather3A_227 = tpu.vector_load_idx %arg12[%add3A_179, %broadcast_in_dim3A_226] : memref<128x128xf32, #tpu.memory_space<vmem>>[vector<16xi32>, vector<16xi32>], vector<16xf32>,
        %gather3A_228 = tpu.vector_load_idx %arg14[%add3A_179, %broadcast_in_dim3A_226] : memref<128x128xf32, #tpu.memory_space<vmem>>[vector<16xi32>, vector<16xi32>], vector<16xf32>,
        %mul3A_229 = arith.mulf %gather3A_227, %gather3A_228 : vector<16xf32>
        %add3A_230 = arith.constant 4 : i32
        %add3A_231 = arith.addi %mul3A_206, %add3A_230 : i32
        %broadcast_in_dim3A_232 = vector.broadcast %add3A_231 : i32 to vector<16xi32>
        %gather3A_233 = tpu.vector_load_idx %arg12[%add3A_179, %broadcast_in_dim3A_232] : memref<128x128xf32, #tpu.memory_space<vmem>>[vector<16xi32>, vector<16xi32>], vector<16xf32>,
        %gather3A_234 = tpu.vector_load_idx %arg14[%add3A_179, %broadcast_in_dim3A_232] : memref<128x128xf32, #tpu.memory_space<vmem>>[vector<16xi32>, vector<16xi32>], vector<16xf32>,
        %mul3A_235 = arith.mulf %gather3A_233, %gather3A_234 : vector<16xf32>
        %add3A_236 = arith.constant 5 : i32
        %add3A_237 = arith.addi %mul3A_206, %add3A_236 : i32
        %broadcast_in_dim3A_238 = vector.broadcast %add3A_237 : i32 to vector<16xi32>
        %gather3A_239 = tpu.vector_load_idx %arg12[%add3A_179, %broadcast_in_dim3A_238] : memref<128x128xf32, #tpu.memory_space<vmem>>[vector<16xi32>, vector<16xi32>], vector<16xf32>,
        %gather3A_240 = tpu.vector_load_idx %arg14[%add3A_179, %broadcast_in_dim3A_238] : memref<128x128xf32, #tpu.memory_space<vmem>>[vector<16xi32>, vector<16xi32>], vector<16xf32>,
        %mul3A_241 = arith.mulf %gather3A_239, %gather3A_240 : vector<16xf32>
        %add3A_242 = arith.constant 6 : i32
        %add3A_243 = arith.addi %mul3A_206, %add3A_242 : i32
        %broadcast_in_dim3A_244 = vector.broadcast %add3A_243 : i32 to vector<16xi32>
        %gather3A_245 = tpu.vector_load_idx %arg12[%add3A_179, %broadcast_in_dim3A_244] : memref<128x128xf32, #tpu.memory_space<vmem>>[vector<16xi32>, vector<16xi32>], vector<16xf32>,
        %gather3A_246 = tpu.vector_load_idx %arg14[%add3A_179, %broadcast_in_dim3A_244] : memref<128x128xf32, #tpu.memory_space<vmem>>[vector<16xi32>, vector<16xi32>], vector<16xf32>,
        %mul3A_247 = arith.mulf %gather3A_245, %gather3A_246 : vector<16xf32>
        %add3A_248 = arith.constant 7 : i32
        %add3A_249 = arith.addi %mul3A_206, %add3A_248 : i32
        %broadcast_in_dim3A_250 = vector.broadcast %add3A_249 : i32 to vector<16xi32>
        %gather3A_251 = tpu.vector_load_idx %arg12[%add3A_179, %broadcast_in_dim3A_250] : memref<128x128xf32, #tpu.memory_space<vmem>>[vector<16xi32>, vector<16xi32>], vector<16xf32>,
        %gather3A_252 = tpu.vector_load_idx %arg14[%add3A_179, %broadcast_in_dim3A_250] : memref<128x128xf32, #tpu.memory_space<vmem>>[vector<16xi32>, vector<16xi32>], vector<16xf32>,
        %mul3A_253 = arith.mulf %gather3A_251, %gather3A_252 : vector<16xf32>
        %add3A_254 = arith.addf %mul3A_211, %mul3A_217 : vector<16xf32>
        %add3A_255 = arith.addf %scan3A_201, %add3A_254 : vector<16xf32>
        %add3A_256 = arith.addf %mul3A_223, %mul3A_229 : vector<16xf32>
        %add3A_257 = arith.addf %scan3A_202, %add3A_256 : vector<16xf32>
        %add3A_258 = arith.addf %mul3A_235, %mul3A_241 : vector<16xf32>
        %add3A_259 = arith.addf %scan3A_203, %add3A_258 : vector<16xf32>
        %add3A_260 = arith.addf %mul3A_247, %mul3A_253 : vector<16xf32>
        %add3A_261 = arith.addf %scan3A_204, %add3A_260 : vector<16xf32>
        scf.yield %add3A_255, %add3A_257, %add3A_259, %add3A_261 : vector<16xf32>, vector<16xf32>, vector<16xf32>, vector<16xf32>
      }
      %scan3A_185 = arith.constant 16 : i32
      %add3A_186 = arith.addf %scan3A_184#0, %scan3A_184#1 : vector<16xf32>
      %add3A_187 = arith.addf %scan3A_184#2, %scan3A_184#3 : vector<16xf32>
      %add3A_188 = arith.addf %add3A_186, %add3A_187 : vector<16xf32>
      %get3A_189 = arith.index_cast %multiple_of3A : i32 to index
      %get3A_190 = tpu.vector_load %arg16[%get3A_189] {strides = array<i32>} : memref<128xf32, #tpu.memory_space<vmem>>, vector<16xf32>,
      %add3A_191 = arith.addf %add3A_188, %get3A_190 : vector<16xf32>
      %get3A_192 = arith.index_cast %multiple_of3A : i32 to index
      %get3A_193 = tpu.vector_load %arg18[%get3A_192] {strides = array<i32>} : memref<128xf32, #tpu.memory_space<vmem>>, vector<16xf32>,
      %add3A_194 = arith.addf %add3A_191, %get3A_193 : vector<16xf32>
      %add3A_195 = arith.addf %add3A_194, %get3A_3 : vector<16xf32>
      %add3A_196 = arith.constant 0 : i32
      %add3A_197 = arith.addi %add3A_196, %multiple_of3A : i32
      %swap3A = arith.index_cast %add3A_197 : i32 to index
      %swap3A_198 = tpu.vector_load %arg20[%swap3A] {strides = array<i32>} : memref<512xf32, #tpu.memory_space<vmem>>, vector<16xf32>,
      tpu.vector_store %arg20[%swap3A], %add3A_195 {strides = array<i32>} : memref<512xf32, #tpu.memory_space<vmem>>, vector<16xf32>,
      %scan3A_199 = arith.constant 0 : i32
      scf.yield %scan3A_199 : i32
    }
    %scan3A_62 = arith.constant 8 : i32
    %dma_start3A_63 = arith.constant 256 : i32
    %dma_start3A_64 = tpu.memref_slice %arg10[%dma_start3A_63] : memref<512xi32, #tpu.memory_space<vmem>> -> memref<128xi32, #tpu.memory_space<vmem>>
    %dma_start3A_65 = arith.constant 0 : i32
    %dma_start3A_66 = arith.constant 0 : i32
    %dma_start3A_67 = tpu.memref_slice %arg4[%dma_start3A_65, %dma_start3A_66] : memref<100000x128xf32, #tpu.memory_space<hbm>> -> memref<100000x128xf32, #tpu.memory_space<hbm>>
    tpu.enqueue_indirect_dma source(%dma_start3A_67 : memref<100000x128xf32, #tpu.memory_space<hbm>>) target(%arg12 : memref<128x128xf32, #tpu.memory_space<vmem>>) offsets(%dma_start3A_64 : memref<128xi32, #tpu.memory_space<vmem>>) semaphore(%arg22 : memref<!tpu.dma_semaphore, #tpu.memory_space<semaphore_mem>>)
    %dma_start3A_68 = arith.constant 256 : i32
    %dma_start3A_69 = tpu.memref_slice %arg11[%dma_start3A_68] : memref<512xi32, #tpu.memory_space<vmem>> -> memref<128xi32, #tpu.memory_space<vmem>>
    %dma_start3A_70 = arith.constant 0 : i32
    %dma_start3A_71 = arith.constant 0 : i32
    %dma_start3A_72 = tpu.memref_slice %arg5[%dma_start3A_70, %dma_start3A_71] : memref<1000000x128xf32, #tpu.memory_space<hbm>> -> memref<1000000x128xf32, #tpu.memory_space<hbm>>
    tpu.enqueue_indirect_dma source(%dma_start3A_72 : memref<1000000x128xf32, #tpu.memory_space<hbm>>) target(%arg14 : memref<128x128xf32, #tpu.memory_space<vmem>>) offsets(%dma_start3A_69 : memref<128xi32, #tpu.memory_space<vmem>>) semaphore(%arg22 : memref<!tpu.dma_semaphore, #tpu.memory_space<semaphore_mem>>)
    %dma_start3A_73 = arith.constant 256 : i32
    %dma_start3A_74 = tpu.memref_slice %arg10[%dma_start3A_73] : memref<512xi32, #tpu.memory_space<vmem>> -> memref<128xi32, #tpu.memory_space<vmem>>
    %dma_start3A_75 = arith.constant 0 : i32
    %dma_start3A_76 = tpu.memref_slice %arg6[%dma_start3A_75] : memref<100000xf32, #tpu.memory_space<hbm>> -> memref<100000xf32, #tpu.memory_space<hbm>>
    tpu.enqueue_indirect_dma source(%dma_start3A_76 : memref<100000xf32, #tpu.memory_space<hbm>>) target(%arg16 : memref<128xf32, #tpu.memory_space<vmem>>) offsets(%dma_start3A_74 : memref<128xi32, #tpu.memory_space<vmem>>) semaphore(%arg22 : memref<!tpu.dma_semaphore, #tpu.memory_space<semaphore_mem>>)
    %dma_start3A_77 = arith.constant 256 : i32
    %dma_start3A_78 = tpu.memref_slice %arg11[%dma_start3A_77] : memref<512xi32, #tpu.memory_space<vmem>> -> memref<128xi32, #tpu.memory_space<vmem>>
    %dma_start3A_79 = arith.constant 0 : i32
    %dma_start3A_80 = tpu.memref_slice %arg7[%dma_start3A_79] : memref<1000000xf32, #tpu.memory_space<hbm>> -> memref<1000000xf32, #tpu.memory_space<hbm>>
    tpu.enqueue_indirect_dma source(%dma_start3A_80 : memref<1000000xf32, #tpu.memory_space<hbm>>) target(%arg18 : memref<128xf32, #tpu.memory_space<vmem>>) offsets(%dma_start3A_78 : memref<128xi32, #tpu.memory_space<vmem>>) semaphore(%arg22 : memref<!tpu.dma_semaphore, #tpu.memory_space<semaphore_mem>>)
    %dma_wait3A_81 = arith.constant 128 : i32
    %dma_wait3A_82 = tpu.memref_slice %arg10[%dma_wait3A_81] : memref<512xi32, #tpu.memory_space<vmem>> -> memref<128xi32, #tpu.memory_space<vmem>>
    %dma_wait3A_83 = arith.constant 0 : i32
    %dma_wait3A_84 = arith.constant 0 : i32
    %dma_wait3A_85 = tpu.memref_slice %arg4[%dma_wait3A_83, %dma_wait3A_84] : memref<100000x128xf32, #tpu.memory_space<hbm>> -> memref<100000x128xf32, #tpu.memory_space<hbm>>
    tpu.wait_indirect_dma semaphore(%arg23 : memref<!tpu.dma_semaphore, #tpu.memory_space<semaphore_mem>>) src(%dma_wait3A_85 : memref<100000x128xf32, #tpu.memory_space<hbm>>) dst(%arg13 : memref<128x128xf32, #tpu.memory_space<vmem>>)
    %dma_wait3A_86 = arith.constant 128 : i32
    %dma_wait3A_87 = tpu.memref_slice %arg11[%dma_wait3A_86] : memref<512xi32, #tpu.memory_space<vmem>> -> memref<128xi32, #tpu.memory_space<vmem>>
    %dma_wait3A_88 = arith.constant 0 : i32
    %dma_wait3A_89 = arith.constant 0 : i32
    %dma_wait3A_90 = tpu.memref_slice %arg5[%dma_wait3A_88, %dma_wait3A_89] : memref<1000000x128xf32, #tpu.memory_space<hbm>> -> memref<1000000x128xf32, #tpu.memory_space<hbm>>
    tpu.wait_indirect_dma semaphore(%arg23 : memref<!tpu.dma_semaphore, #tpu.memory_space<semaphore_mem>>) src(%dma_wait3A_90 : memref<1000000x128xf32, #tpu.memory_space<hbm>>) dst(%arg15 : memref<128x128xf32, #tpu.memory_space<vmem>>)
    %dma_wait3A_91 = arith.constant 128 : i32
    %dma_wait3A_92 = tpu.memref_slice %arg10[%dma_wait3A_91] : memref<512xi32, #tpu.memory_space<vmem>> -> memref<128xi32, #tpu.memory_space<vmem>>
    %dma_wait3A_93 = arith.constant 0 : i32
    %dma_wait3A_94 = tpu.memref_slice %arg6[%dma_wait3A_93] : memref<100000xf32, #tpu.memory_space<hbm>> -> memref<100000xf32, #tpu.memory_space<hbm>>
    tpu.wait_indirect_dma semaphore(%arg23 : memref<!tpu.dma_semaphore, #tpu.memory_space<semaphore_mem>>) src(%dma_wait3A_94 : memref<100000xf32, #tpu.memory_space<hbm>>) dst(%arg17 : memref<128xf32, #tpu.memory_space<vmem>>)
    %dma_wait3A_95 = arith.constant 128 : i32
    %dma_wait3A_96 = tpu.memref_slice %arg11[%dma_wait3A_95] : memref<512xi32, #tpu.memory_space<vmem>> -> memref<128xi32, #tpu.memory_space<vmem>>
    %dma_wait3A_97 = arith.constant 0 : i32
    %dma_wait3A_98 = tpu.memref_slice %arg7[%dma_wait3A_97] : memref<1000000xf32, #tpu.memory_space<hbm>> -> memref<1000000xf32, #tpu.memory_space<hbm>>
    tpu.wait_indirect_dma semaphore(%arg23 : memref<!tpu.dma_semaphore, #tpu.memory_space<semaphore_mem>>) src(%dma_wait3A_98 : memref<1000000xf32, #tpu.memory_space<hbm>>) dst(%arg19 : memref<128xf32, #tpu.memory_space<vmem>>)
    %scan3A_99 = arith.constant 0 : i32
    %scan3A_100 = arith.constant 0 : i32
    %scan3A_101 = arith.constant 8 : i32
    %scan3A_102 = arith.addi %scan3A_100, %scan3A_101 : i32
    %scan3A_103 = arith.constant 1 : i32
    %scan3A_104 = scf.for %scan3A_174 = %scan3A_100 to %scan3A_102 step %scan3A_103 iter_args(%scan3A_175 = %scan3A_99) -> (i32)  : i32 {
      %mul3A_176 = arith.constant 16 : i32
      %mul3A_177 = arith.muli %scan3A_174, %mul3A_176 : i32
      %multiple_of3A = tpu.assume_multiple %mul3A_177, 16 : i32
      %add3A_178 = vector.broadcast %multiple_of3A : i32 to vector<16xi32>
      %add3A_179 = arith.addi %add3A_178, %iota3A : vector<16xi32>
      %scan3A_180 = arith.constant 0 : i32
      %scan3A_181 = arith.constant 16 : i32
      %scan3A_182 = arith.addi %scan3A_180, %scan3A_181 : i32
      %scan3A_183 = arith.constant 1 : i32
      %scan3A_184:4 = scf.for %scan3A_200 = %scan3A_180 to %scan3A_182 step %scan3A_183 iter_args(%scan3A_201 = %broadcast_in_dim3A_21, %scan3A_202 = %broadcast_in_dim3A_21, %scan3A_203 = %broadcast_in_dim3A_21, %scan3A_204 = %broadcast_in_dim3A_21) -> (vector<16xf32>, vector<16xf32>, vector<16xf32>, vector<16xf32>)  : i32 {
        %mul3A_205 = arith.constant 8 : i32
        %mul3A_206 = arith.muli %scan3A_200, %mul3A_205 : i32
        %add3A_207 = arith.constant 0 : i32
        %add3A_208 = arith.addi %mul3A_206, %add3A_207 : i32
        %broadcast_in_dim3A_209 = vector.broadcast %add3A_208 : i32 to vector<16xi32>
        %gather3A = tpu.vector_load_idx %arg13[%add3A_179, %broadcast_in_dim3A_209] : memref<128x128xf32, #tpu.memory_space<vmem>>[vector<16xi32>, vector<16xi32>], vector<16xf32>,
        %gather3A_210 = tpu.vector_load_idx %arg15[%add3A_179, %broadcast_in_dim3A_209] : memref<128x128xf32, #tpu.memory_space<vmem>>[vector<16xi32>, vector<16xi32>], vector<16xf32>,
        %mul3A_211 = arith.mulf %gather3A, %gather3A_210 : vector<16xf32>
        %add3A_212 = arith.constant 1 : i32
        %add3A_213 = arith.addi %mul3A_206, %add3A_212 : i32
        %broadcast_in_dim3A_214 = vector.broadcast %add3A_213 : i32 to vector<16xi32>
        %gather3A_215 = tpu.vector_load_idx %arg13[%add3A_179, %broadcast_in_dim3A_214] : memref<128x128xf32, #tpu.memory_space<vmem>>[vector<16xi32>, vector<16xi32>], vector<16xf32>,
        %gather3A_216 = tpu.vector_load_idx %arg15[%add3A_179, %broadcast_in_dim3A_214] : memref<128x128xf32, #tpu.memory_space<vmem>>[vector<16xi32>, vector<16xi32>], vector<16xf32>,
        %mul3A_217 = arith.mulf %gather3A_215, %gather3A_216 : vector<16xf32>
        %add3A_218 = arith.constant 2 : i32
        %add3A_219 = arith.addi %mul3A_206, %add3A_218 : i32
        %broadcast_in_dim3A_220 = vector.broadcast %add3A_219 : i32 to vector<16xi32>
        %gather3A_221 = tpu.vector_load_idx %arg13[%add3A_179, %broadcast_in_dim3A_220] : memref<128x128xf32, #tpu.memory_space<vmem>>[vector<16xi32>, vector<16xi32>], vector<16xf32>,
        %gather3A_222 = tpu.vector_load_idx %arg15[%add3A_179, %broadcast_in_dim3A_220] : memref<128x128xf32, #tpu.memory_space<vmem>>[vector<16xi32>, vector<16xi32>], vector<16xf32>,
        %mul3A_223 = arith.mulf %gather3A_221, %gather3A_222 : vector<16xf32>
        %add3A_224 = arith.constant 3 : i32
        %add3A_225 = arith.addi %mul3A_206, %add3A_224 : i32
        %broadcast_in_dim3A_226 = vector.broadcast %add3A_225 : i32 to vector<16xi32>
        %gather3A_227 = tpu.vector_load_idx %arg13[%add3A_179, %broadcast_in_dim3A_226] : memref<128x128xf32, #tpu.memory_space<vmem>>[vector<16xi32>, vector<16xi32>], vector<16xf32>,
        %gather3A_228 = tpu.vector_load_idx %arg15[%add3A_179, %broadcast_in_dim3A_226] : memref<128x128xf32, #tpu.memory_space<vmem>>[vector<16xi32>, vector<16xi32>], vector<16xf32>,
        %mul3A_229 = arith.mulf %gather3A_227, %gather3A_228 : vector<16xf32>
        %add3A_230 = arith.constant 4 : i32
        %add3A_231 = arith.addi %mul3A_206, %add3A_230 : i32
        %broadcast_in_dim3A_232 = vector.broadcast %add3A_231 : i32 to vector<16xi32>
        %gather3A_233 = tpu.vector_load_idx %arg13[%add3A_179, %broadcast_in_dim3A_232] : memref<128x128xf32, #tpu.memory_space<vmem>>[vector<16xi32>, vector<16xi32>], vector<16xf32>,
        %gather3A_234 = tpu.vector_load_idx %arg15[%add3A_179, %broadcast_in_dim3A_232] : memref<128x128xf32, #tpu.memory_space<vmem>>[vector<16xi32>, vector<16xi32>], vector<16xf32>,
        %mul3A_235 = arith.mulf %gather3A_233, %gather3A_234 : vector<16xf32>
        %add3A_236 = arith.constant 5 : i32
        %add3A_237 = arith.addi %mul3A_206, %add3A_236 : i32
        %broadcast_in_dim3A_238 = vector.broadcast %add3A_237 : i32 to vector<16xi32>
        %gather3A_239 = tpu.vector_load_idx %arg13[%add3A_179, %broadcast_in_dim3A_238] : memref<128x128xf32, #tpu.memory_space<vmem>>[vector<16xi32>, vector<16xi32>], vector<16xf32>,
        %gather3A_240 = tpu.vector_load_idx %arg15[%add3A_179, %broadcast_in_dim3A_238] : memref<128x128xf32, #tpu.memory_space<vmem>>[vector<16xi32>, vector<16xi32>], vector<16xf32>,
        %mul3A_241 = arith.mulf %gather3A_239, %gather3A_240 : vector<16xf32>
        %add3A_242 = arith.constant 6 : i32
        %add3A_243 = arith.addi %mul3A_206, %add3A_242 : i32
        %broadcast_in_dim3A_244 = vector.broadcast %add3A_243 : i32 to vector<16xi32>
        %gather3A_245 = tpu.vector_load_idx %arg13[%add3A_179, %broadcast_in_dim3A_244] : memref<128x128xf32, #tpu.memory_space<vmem>>[vector<16xi32>, vector<16xi32>], vector<16xf32>,
        %gather3A_246 = tpu.vector_load_idx %arg15[%add3A_179, %broadcast_in_dim3A_244] : memref<128x128xf32, #tpu.memory_space<vmem>>[vector<16xi32>, vector<16xi32>], vector<16xf32>,
        %mul3A_247 = arith.mulf %gather3A_245, %gather3A_246 : vector<16xf32>
        %add3A_248 = arith.constant 7 : i32
        %add3A_249 = arith.addi %mul3A_206, %add3A_248 : i32
        %broadcast_in_dim3A_250 = vector.broadcast %add3A_249 : i32 to vector<16xi32>
        %gather3A_251 = tpu.vector_load_idx %arg13[%add3A_179, %broadcast_in_dim3A_250] : memref<128x128xf32, #tpu.memory_space<vmem>>[vector<16xi32>, vector<16xi32>], vector<16xf32>,
        %gather3A_252 = tpu.vector_load_idx %arg15[%add3A_179, %broadcast_in_dim3A_250] : memref<128x128xf32, #tpu.memory_space<vmem>>[vector<16xi32>, vector<16xi32>], vector<16xf32>,
        %mul3A_253 = arith.mulf %gather3A_251, %gather3A_252 : vector<16xf32>
        %add3A_254 = arith.addf %mul3A_211, %mul3A_217 : vector<16xf32>
        %add3A_255 = arith.addf %scan3A_201, %add3A_254 : vector<16xf32>
        %add3A_256 = arith.addf %mul3A_223, %mul3A_229 : vector<16xf32>
        %add3A_257 = arith.addf %scan3A_202, %add3A_256 : vector<16xf32>
        %add3A_258 = arith.addf %mul3A_235, %mul3A_241 : vector<16xf32>
        %add3A_259 = arith.addf %scan3A_203, %add3A_258 : vector<16xf32>
        %add3A_260 = arith.addf %mul3A_247, %mul3A_253 : vector<16xf32>
        %add3A_261 = arith.addf %scan3A_204, %add3A_260 : vector<16xf32>
        scf.yield %add3A_255, %add3A_257, %add3A_259, %add3A_261 : vector<16xf32>, vector<16xf32>, vector<16xf32>, vector<16xf32>
      }
      %scan3A_185 = arith.constant 16 : i32
      %add3A_186 = arith.addf %scan3A_184#0, %scan3A_184#1 : vector<16xf32>
      %add3A_187 = arith.addf %scan3A_184#2, %scan3A_184#3 : vector<16xf32>
      %add3A_188 = arith.addf %add3A_186, %add3A_187 : vector<16xf32>
      %get3A_189 = arith.index_cast %multiple_of3A : i32 to index
      %get3A_190 = tpu.vector_load %arg17[%get3A_189] {strides = array<i32>} : memref<128xf32, #tpu.memory_space<vmem>>, vector<16xf32>,
      %add3A_191 = arith.addf %add3A_188, %get3A_190 : vector<16xf32>
      %get3A_192 = arith.index_cast %multiple_of3A : i32 to index
      %get3A_193 = tpu.vector_load %arg19[%get3A_192] {strides = array<i32>} : memref<128xf32, #tpu.memory_space<vmem>>, vector<16xf32>,
      %add3A_194 = arith.addf %add3A_191, %get3A_193 : vector<16xf32>
      %add3A_195 = arith.addf %add3A_194, %get3A_3 : vector<16xf32>
      %add3A_196 = arith.constant 128 : i32
      %add3A_197 = arith.addi %add3A_196, %multiple_of3A : i32
      %swap3A = arith.index_cast %add3A_197 : i32 to index
      %swap3A_198 = tpu.vector_load %arg20[%swap3A] {strides = array<i32>} : memref<512xf32, #tpu.memory_space<vmem>>, vector<16xf32>,
      tpu.vector_store %arg20[%swap3A], %add3A_195 {strides = array<i32>} : memref<512xf32, #tpu.memory_space<vmem>>, vector<16xf32>,
      %scan3A_199 = arith.constant 0 : i32
      scf.yield %scan3A_199 : i32
    }
    %scan3A_105 = arith.constant 8 : i32
    %dma_start3A_106 = arith.constant 384 : i32
    %dma_start3A_107 = tpu.memref_slice %arg10[%dma_start3A_106] : memref<512xi32, #tpu.memory_space<vmem>> -> memref<128xi32, #tpu.memory_space<vmem>>
    %dma_start3A_108 = arith.constant 0 : i32
    %dma_start3A_109 = arith.constant 0 : i32
    %dma_start3A_110 = tpu.memref_slice %arg4[%dma_start3A_108, %dma_start3A_109] : memref<100000x128xf32, #tpu.memory_space<hbm>> -> memref<100000x128xf32, #tpu.memory_space<hbm>>
    tpu.enqueue_indirect_dma source(%dma_start3A_110 : memref<100000x128xf32, #tpu.memory_space<hbm>>) target(%arg13 : memref<128x128xf32, #tpu.memory_space<vmem>>) offsets(%dma_start3A_107 : memref<128xi32, #tpu.memory_space<vmem>>) semaphore(%arg23 : memref<!tpu.dma_semaphore, #tpu.memory_space<semaphore_mem>>)
    %dma_start3A_111 = arith.constant 384 : i32
    %dma_start3A_112 = tpu.memref_slice %arg11[%dma_start3A_111] : memref<512xi32, #tpu.memory_space<vmem>> -> memref<128xi32, #tpu.memory_space<vmem>>
    %dma_start3A_113 = arith.constant 0 : i32
    %dma_start3A_114 = arith.constant 0 : i32
    %dma_start3A_115 = tpu.memref_slice %arg5[%dma_start3A_113, %dma_start3A_114] : memref<1000000x128xf32, #tpu.memory_space<hbm>> -> memref<1000000x128xf32, #tpu.memory_space<hbm>>
    tpu.enqueue_indirect_dma source(%dma_start3A_115 : memref<1000000x128xf32, #tpu.memory_space<hbm>>) target(%arg15 : memref<128x128xf32, #tpu.memory_space<vmem>>) offsets(%dma_start3A_112 : memref<128xi32, #tpu.memory_space<vmem>>) semaphore(%arg23 : memref<!tpu.dma_semaphore, #tpu.memory_space<semaphore_mem>>)
    %dma_start3A_116 = arith.constant 384 : i32
    %dma_start3A_117 = tpu.memref_slice %arg10[%dma_start3A_116] : memref<512xi32, #tpu.memory_space<vmem>> -> memref<128xi32, #tpu.memory_space<vmem>>
    %dma_start3A_118 = arith.constant 0 : i32
    %dma_start3A_119 = tpu.memref_slice %arg6[%dma_start3A_118] : memref<100000xf32, #tpu.memory_space<hbm>> -> memref<100000xf32, #tpu.memory_space<hbm>>
    tpu.enqueue_indirect_dma source(%dma_start3A_119 : memref<100000xf32, #tpu.memory_space<hbm>>) target(%arg17 : memref<128xf32, #tpu.memory_space<vmem>>) offsets(%dma_start3A_117 : memref<128xi32, #tpu.memory_space<vmem>>) semaphore(%arg23 : memref<!tpu.dma_semaphore, #tpu.memory_space<semaphore_mem>>)
    %dma_start3A_120 = arith.constant 384 : i32
    %dma_start3A_121 = tpu.memref_slice %arg11[%dma_start3A_120] : memref<512xi32, #tpu.memory_space<vmem>> -> memref<128xi32, #tpu.memory_space<vmem>>
    %dma_start3A_122 = arith.constant 0 : i32
    %dma_start3A_123 = tpu.memref_slice %arg7[%dma_start3A_122] : memref<1000000xf32, #tpu.memory_space<hbm>> -> memref<1000000xf32, #tpu.memory_space<hbm>>
    tpu.enqueue_indirect_dma source(%dma_start3A_123 : memref<1000000xf32, #tpu.memory_space<hbm>>) target(%arg19 : memref<128xf32, #tpu.memory_space<vmem>>) offsets(%dma_start3A_121 : memref<128xi32, #tpu.memory_space<vmem>>) semaphore(%arg23 : memref<!tpu.dma_semaphore, #tpu.memory_space<semaphore_mem>>)
    %dma_wait3A_124 = arith.constant 256 : i32
    %dma_wait3A_125 = tpu.memref_slice %arg10[%dma_wait3A_124] : memref<512xi32, #tpu.memory_space<vmem>> -> memref<128xi32, #tpu.memory_space<vmem>>
    %dma_wait3A_126 = arith.constant 0 : i32
    %dma_wait3A_127 = arith.constant 0 : i32
    %dma_wait3A_128 = tpu.memref_slice %arg4[%dma_wait3A_126, %dma_wait3A_127] : memref<100000x128xf32, #tpu.memory_space<hbm>> -> memref<100000x128xf32, #tpu.memory_space<hbm>>
    tpu.wait_indirect_dma semaphore(%arg22 : memref<!tpu.dma_semaphore, #tpu.memory_space<semaphore_mem>>) src(%dma_wait3A_128 : memref<100000x128xf32, #tpu.memory_space<hbm>>) dst(%arg12 : memref<128x128xf32, #tpu.memory_space<vmem>>)
    %dma_wait3A_129 = arith.constant 256 : i32
    %dma_wait3A_130 = tpu.memref_slice %arg11[%dma_wait3A_129] : memref<512xi32, #tpu.memory_space<vmem>> -> memref<128xi32, #tpu.memory_space<vmem>>
    %dma_wait3A_131 = arith.constant 0 : i32
    %dma_wait3A_132 = arith.constant 0 : i32
    %dma_wait3A_133 = tpu.memref_slice %arg5[%dma_wait3A_131, %dma_wait3A_132] : memref<1000000x128xf32, #tpu.memory_space<hbm>> -> memref<1000000x128xf32, #tpu.memory_space<hbm>>
    tpu.wait_indirect_dma semaphore(%arg22 : memref<!tpu.dma_semaphore, #tpu.memory_space<semaphore_mem>>) src(%dma_wait3A_133 : memref<1000000x128xf32, #tpu.memory_space<hbm>>) dst(%arg14 : memref<128x128xf32, #tpu.memory_space<vmem>>)
    %dma_wait3A_134 = arith.constant 256 : i32
    %dma_wait3A_135 = tpu.memref_slice %arg10[%dma_wait3A_134] : memref<512xi32, #tpu.memory_space<vmem>> -> memref<128xi32, #tpu.memory_space<vmem>>
    %dma_wait3A_136 = arith.constant 0 : i32
    %dma_wait3A_137 = tpu.memref_slice %arg6[%dma_wait3A_136] : memref<100000xf32, #tpu.memory_space<hbm>> -> memref<100000xf32, #tpu.memory_space<hbm>>
    tpu.wait_indirect_dma semaphore(%arg22 : memref<!tpu.dma_semaphore, #tpu.memory_space<semaphore_mem>>) src(%dma_wait3A_137 : memref<100000xf32, #tpu.memory_space<hbm>>) dst(%arg16 : memref<128xf32, #tpu.memory_space<vmem>>)
    %dma_wait3A_138 = arith.constant 256 : i32
    %dma_wait3A_139 = tpu.memref_slice %arg11[%dma_wait3A_138] : memref<512xi32, #tpu.memory_space<vmem>> -> memref<128xi32, #tpu.memory_space<vmem>>
    %dma_wait3A_140 = arith.constant 0 : i32
    %dma_wait3A_141 = tpu.memref_slice %arg7[%dma_wait3A_140] : memref<1000000xf32, #tpu.memory_space<hbm>> -> memref<1000000xf32, #tpu.memory_space<hbm>>
    tpu.wait_indirect_dma semaphore(%arg22 : memref<!tpu.dma_semaphore, #tpu.memory_space<semaphore_mem>>) src(%dma_wait3A_141 : memref<1000000xf32, #tpu.memory_space<hbm>>) dst(%arg18 : memref<128xf32, #tpu.memory_space<vmem>>)
    %scan3A_142 = arith.constant 0 : i32
    %scan3A_143 = arith.constant 0 : i32
    %scan3A_144 = arith.constant 8 : i32
    %scan3A_145 = arith.addi %scan3A_143, %scan3A_144 : i32
    %scan3A_146 = arith.constant 1 : i32
    %scan3A_147 = scf.for %scan3A_174 = %scan3A_143 to %scan3A_145 step %scan3A_146 iter_args(%scan3A_175 = %scan3A_142) -> (i32)  : i32 {
      %mul3A_176 = arith.constant 16 : i32
      %mul3A_177 = arith.muli %scan3A_174, %mul3A_176 : i32
      %multiple_of3A = tpu.assume_multiple %mul3A_177, 16 : i32
      %add3A_178 = vector.broadcast %multiple_of3A : i32 to vector<16xi32>
      %add3A_179 = arith.addi %add3A_178, %iota3A : vector<16xi32>
      %scan3A_180 = arith.constant 0 : i32
      %scan3A_181 = arith.constant 16 : i32
      %scan3A_182 = arith.addi %scan3A_180, %scan3A_181 : i32
      %scan3A_183 = arith.constant 1 : i32
      %scan3A_184:4 = scf.for %scan3A_200 = %scan3A_180 to %scan3A_182 step %scan3A_183 iter_args(%scan3A_201 = %broadcast_in_dim3A_21, %scan3A_202 = %broadcast_in_dim3A_21, %scan3A_203 = %broadcast_in_dim3A_21, %scan3A_204 = %broadcast_in_dim3A_21) -> (vector<16xf32>, vector<16xf32>, vector<16xf32>, vector<16xf32>)  : i32 {
        %mul3A_205 = arith.constant 8 : i32
        %mul3A_206 = arith.muli %scan3A_200, %mul3A_205 : i32
        %add3A_207 = arith.constant 0 : i32
        %add3A_208 = arith.addi %mul3A_206, %add3A_207 : i32
        %broadcast_in_dim3A_209 = vector.broadcast %add3A_208 : i32 to vector<16xi32>
        %gather3A = tpu.vector_load_idx %arg12[%add3A_179, %broadcast_in_dim3A_209] : memref<128x128xf32, #tpu.memory_space<vmem>>[vector<16xi32>, vector<16xi32>], vector<16xf32>,
        %gather3A_210 = tpu.vector_load_idx %arg14[%add3A_179, %broadcast_in_dim3A_209] : memref<128x128xf32, #tpu.memory_space<vmem>>[vector<16xi32>, vector<16xi32>], vector<16xf32>,
        %mul3A_211 = arith.mulf %gather3A, %gather3A_210 : vector<16xf32>
        %add3A_212 = arith.constant 1 : i32
        %add3A_213 = arith.addi %mul3A_206, %add3A_212 : i32
        %broadcast_in_dim3A_214 = vector.broadcast %add3A_213 : i32 to vector<16xi32>
        %gather3A_215 = tpu.vector_load_idx %arg12[%add3A_179, %broadcast_in_dim3A_214] : memref<128x128xf32, #tpu.memory_space<vmem>>[vector<16xi32>, vector<16xi32>], vector<16xf32>,
        %gather3A_216 = tpu.vector_load_idx %arg14[%add3A_179, %broadcast_in_dim3A_214] : memref<128x128xf32, #tpu.memory_space<vmem>>[vector<16xi32>, vector<16xi32>], vector<16xf32>,
        %mul3A_217 = arith.mulf %gather3A_215, %gather3A_216 : vector<16xf32>
        %add3A_218 = arith.constant 2 : i32
        %add3A_219 = arith.addi %mul3A_206, %add3A_218 : i32
        %broadcast_in_dim3A_220 = vector.broadcast %add3A_219 : i32 to vector<16xi32>
        %gather3A_221 = tpu.vector_load_idx %arg12[%add3A_179, %broadcast_in_dim3A_220] : memref<128x128xf32, #tpu.memory_space<vmem>>[vector<16xi32>, vector<16xi32>], vector<16xf32>,
        %gather3A_222 = tpu.vector_load_idx %arg14[%add3A_179, %broadcast_in_dim3A_220] : memref<128x128xf32, #tpu.memory_space<vmem>>[vector<16xi32>, vector<16xi32>], vector<16xf32>,
        %mul3A_223 = arith.mulf %gather3A_221, %gather3A_222 : vector<16xf32>
        %add3A_224 = arith.constant 3 : i32
        %add3A_225 = arith.addi %mul3A_206, %add3A_224 : i32
        %broadcast_in_dim3A_226 = vector.broadcast %add3A_225 : i32 to vector<16xi32>
        %gather3A_227 = tpu.vector_load_idx %arg12[%add3A_179, %broadcast_in_dim3A_226] : memref<128x128xf32, #tpu.memory_space<vmem>>[vector<16xi32>, vector<16xi32>], vector<16xf32>,
        %gather3A_228 = tpu.vector_load_idx %arg14[%add3A_179, %broadcast_in_dim3A_226] : memref<128x128xf32, #tpu.memory_space<vmem>>[vector<16xi32>, vector<16xi32>], vector<16xf32>,
        %mul3A_229 = arith.mulf %gather3A_227, %gather3A_228 : vector<16xf32>
        %add3A_230 = arith.constant 4 : i32
        %add3A_231 = arith.addi %mul3A_206, %add3A_230 : i32
        %broadcast_in_dim3A_232 = vector.broadcast %add3A_231 : i32 to vector<16xi32>
        %gather3A_233 = tpu.vector_load_idx %arg12[%add3A_179, %broadcast_in_dim3A_232] : memref<128x128xf32, #tpu.memory_space<vmem>>[vector<16xi32>, vector<16xi32>], vector<16xf32>,
        %gather3A_234 = tpu.vector_load_idx %arg14[%add3A_179, %broadcast_in_dim3A_232] : memref<128x128xf32, #tpu.memory_space<vmem>>[vector<16xi32>, vector<16xi32>], vector<16xf32>,
        %mul3A_235 = arith.mulf %gather3A_233, %gather3A_234 : vector<16xf32>
        %add3A_236 = arith.constant 5 : i32
        %add3A_237 = arith.addi %mul3A_206, %add3A_236 : i32
        %broadcast_in_dim3A_238 = vector.broadcast %add3A_237 : i32 to vector<16xi32>
        %gather3A_239 = tpu.vector_load_idx %arg12[%add3A_179, %broadcast_in_dim3A_238] : memref<128x128xf32, #tpu.memory_space<vmem>>[vector<16xi32>, vector<16xi32>], vector<16xf32>,
        %gather3A_240 = tpu.vector_load_idx %arg14[%add3A_179, %broadcast_in_dim3A_238] : memref<128x128xf32, #tpu.memory_space<vmem>>[vector<16xi32>, vector<16xi32>], vector<16xf32>,
        %mul3A_241 = arith.mulf %gather3A_239, %gather3A_240 : vector<16xf32>
        %add3A_242 = arith.constant 6 : i32
        %add3A_243 = arith.addi %mul3A_206, %add3A_242 : i32
        %broadcast_in_dim3A_244 = vector.broadcast %add3A_243 : i32 to vector<16xi32>
        %gather3A_245 = tpu.vector_load_idx %arg12[%add3A_179, %broadcast_in_dim3A_244] : memref<128x128xf32, #tpu.memory_space<vmem>>[vector<16xi32>, vector<16xi32>], vector<16xf32>,
        %gather3A_246 = tpu.vector_load_idx %arg14[%add3A_179, %broadcast_in_dim3A_244] : memref<128x128xf32, #tpu.memory_space<vmem>>[vector<16xi32>, vector<16xi32>], vector<16xf32>,
        %mul3A_247 = arith.mulf %gather3A_245, %gather3A_246 : vector<16xf32>
        %add3A_248 = arith.constant 7 : i32
        %add3A_249 = arith.addi %mul3A_206, %add3A_248 : i32
        %broadcast_in_dim3A_250 = vector.broadcast %add3A_249 : i32 to vector<16xi32>
        %gather3A_251 = tpu.vector_load_idx %arg12[%add3A_179, %broadcast_in_dim3A_250] : memref<128x128xf32, #tpu.memory_space<vmem>>[vector<16xi32>, vector<16xi32>], vector<16xf32>,
        %gather3A_252 = tpu.vector_load_idx %arg14[%add3A_179, %broadcast_in_dim3A_250] : memref<128x128xf32, #tpu.memory_space<vmem>>[vector<16xi32>, vector<16xi32>], vector<16xf32>,
        %mul3A_253 = arith.mulf %gather3A_251, %gather3A_252 : vector<16xf32>
        %add3A_254 = arith.addf %mul3A_211, %mul3A_217 : vector<16xf32>
        %add3A_255 = arith.addf %scan3A_201, %add3A_254 : vector<16xf32>
        %add3A_256 = arith.addf %mul3A_223, %mul3A_229 : vector<16xf32>
        %add3A_257 = arith.addf %scan3A_202, %add3A_256 : vector<16xf32>
        %add3A_258 = arith.addf %mul3A_235, %mul3A_241 : vector<16xf32>
        %add3A_259 = arith.addf %scan3A_203, %add3A_258 : vector<16xf32>
        %add3A_260 = arith.addf %mul3A_247, %mul3A_253 : vector<16xf32>
        %add3A_261 = arith.addf %scan3A_204, %add3A_260 : vector<16xf32>
        scf.yield %add3A_255, %add3A_257, %add3A_259, %add3A_261 : vector<16xf32>, vector<16xf32>, vector<16xf32>, vector<16xf32>
      }
      %scan3A_185 = arith.constant 16 : i32
      %add3A_186 = arith.addf %scan3A_184#0, %scan3A_184#1 : vector<16xf32>
      %add3A_187 = arith.addf %scan3A_184#2, %scan3A_184#3 : vector<16xf32>
      %add3A_188 = arith.addf %add3A_186, %add3A_187 : vector<16xf32>
      %get3A_189 = arith.index_cast %multiple_of3A : i32 to index
      %get3A_190 = tpu.vector_load %arg16[%get3A_189] {strides = array<i32>} : memref<128xf32, #tpu.memory_space<vmem>>, vector<16xf32>,
      %add3A_191 = arith.addf %add3A_188, %get3A_190 : vector<16xf32>
      %get3A_192 = arith.index_cast %multiple_of3A : i32 to index
      %get3A_193 = tpu.vector_load %arg18[%get3A_192] {strides = array<i32>} : memref<128xf32, #tpu.memory_space<vmem>>, vector<16xf32>,
      %add3A_194 = arith.addf %add3A_191, %get3A_193 : vector<16xf32>
      %add3A_195 = arith.addf %add3A_194, %get3A_3 : vector<16xf32>
      %add3A_196 = arith.constant 256 : i32
      %add3A_197 = arith.addi %add3A_196, %multiple_of3A : i32
      %swap3A = arith.index_cast %add3A_197 : i32 to index
      %swap3A_198 = tpu.vector_load %arg20[%swap3A] {strides = array<i32>} : memref<512xf32, #tpu.memory_space<vmem>>, vector<16xf32>,
      tpu.vector_store %arg20[%swap3A], %add3A_195 {strides = array<i32>} : memref<512xf32, #tpu.memory_space<vmem>>, vector<16xf32>,
      %scan3A_199 = arith.constant 0 : i32
      scf.yield %scan3A_199 : i32
    }
    %scan3A_148 = arith.constant 8 : i32
    %dma_wait3A_149 = arith.constant 384 : i32
    %dma_wait3A_150 = tpu.memref_slice %arg10[%dma_wait3A_149] : memref<512xi32, #tpu.memory_space<vmem>> -> memref<128xi32, #tpu.memory_space<vmem>>
    %dma_wait3A_151 = arith.constant 0 : i32
    %dma_wait3A_152 = arith.constant 0 : i32
    %dma_wait3A_153 = tpu.memref_slice %arg4[%dma_wait3A_151, %dma_wait3A_152] : memref<100000x128xf32, #tpu.memory_space<hbm>> -> memref<100000x128xf32, #tpu.memory_space<hbm>>
    tpu.wait_indirect_dma semaphore(%arg23 : memref<!tpu.dma_semaphore, #tpu.memory_space<semaphore_mem>>) src(%dma_wait3A_153 : memref<100000x128xf32, #tpu.memory_space<hbm>>) dst(%arg13 : memref<128x128xf32, #tpu.memory_space<vmem>>)
    %dma_wait3A_154 = arith.constant 384 : i32
    %dma_wait3A_155 = tpu.memref_slice %arg11[%dma_wait3A_154] : memref<512xi32, #tpu.memory_space<vmem>> -> memref<128xi32, #tpu.memory_space<vmem>>
    %dma_wait3A_156 = arith.constant 0 : i32
    %dma_wait3A_157 = arith.constant 0 : i32
    %dma_wait3A_158 = tpu.memref_slice %arg5[%dma_wait3A_156, %dma_wait3A_157] : memref<1000000x128xf32, #tpu.memory_space<hbm>> -> memref<1000000x128xf32, #tpu.memory_space<hbm>>
    tpu.wait_indirect_dma semaphore(%arg23 : memref<!tpu.dma_semaphore, #tpu.memory_space<semaphore_mem>>) src(%dma_wait3A_158 : memref<1000000x128xf32, #tpu.memory_space<hbm>>) dst(%arg15 : memref<128x128xf32, #tpu.memory_space<vmem>>)
    %dma_wait3A_159 = arith.constant 384 : i32
    %dma_wait3A_160 = tpu.memref_slice %arg10[%dma_wait3A_159] : memref<512xi32, #tpu.memory_space<vmem>> -> memref<128xi32, #tpu.memory_space<vmem>>
    %dma_wait3A_161 = arith.constant 0 : i32
    %dma_wait3A_162 = tpu.memref_slice %arg6[%dma_wait3A_161] : memref<100000xf32, #tpu.memory_space<hbm>> -> memref<100000xf32, #tpu.memory_space<hbm>>
    tpu.wait_indirect_dma semaphore(%arg23 : memref<!tpu.dma_semaphore, #tpu.memory_space<semaphore_mem>>) src(%dma_wait3A_162 : memref<100000xf32, #tpu.memory_space<hbm>>) dst(%arg17 : memref<128xf32, #tpu.memory_space<vmem>>)
    %dma_wait3A_163 = arith.constant 384 : i32
    %dma_wait3A_164 = tpu.memref_slice %arg11[%dma_wait3A_163] : memref<512xi32, #tpu.memory_space<vmem>> -> memref<128xi32, #tpu.memory_space<vmem>>
    %dma_wait3A_165 = arith.constant 0 : i32
    %dma_wait3A_166 = tpu.memref_slice %arg7[%dma_wait3A_165] : memref<1000000xf32, #tpu.memory_space<hbm>> -> memref<1000000xf32, #tpu.memory_space<hbm>>
    tpu.wait_indirect_dma semaphore(%arg23 : memref<!tpu.dma_semaphore, #tpu.memory_space<semaphore_mem>>) src(%dma_wait3A_166 : memref<1000000xf32, #tpu.memory_space<hbm>>) dst(%arg19 : memref<128xf32, #tpu.memory_space<vmem>>)
    %scan3A_167 = arith.constant 0 : i32
    %scan3A_168 = arith.constant 0 : i32
    %scan3A_169 = arith.constant 8 : i32
    %scan3A_170 = arith.addi %scan3A_168, %scan3A_169 : i32
    %scan3A_171 = arith.constant 1 : i32
    %scan3A_172 = scf.for %scan3A_174 = %scan3A_168 to %scan3A_170 step %scan3A_171 iter_args(%scan3A_175 = %scan3A_167) -> (i32)  : i32 {
      %mul3A_176 = arith.constant 16 : i32
      %mul3A_177 = arith.muli %scan3A_174, %mul3A_176 : i32
      %multiple_of3A = tpu.assume_multiple %mul3A_177, 16 : i32
      %add3A_178 = vector.broadcast %multiple_of3A : i32 to vector<16xi32>
      %add3A_179 = arith.addi %add3A_178, %iota3A : vector<16xi32>
      %scan3A_180 = arith.constant 0 : i32
      %scan3A_181 = arith.constant 16 : i32
      %scan3A_182 = arith.addi %scan3A_180, %scan3A_181 : i32
      %scan3A_183 = arith.constant 1 : i32
      %scan3A_184:4 = scf.for %scan3A_200 = %scan3A_180 to %scan3A_182 step %scan3A_183 iter_args(%scan3A_201 = %broadcast_in_dim3A_21, %scan3A_202 = %broadcast_in_dim3A_21, %scan3A_203 = %broadcast_in_dim3A_21, %scan3A_204 = %broadcast_in_dim3A_21) -> (vector<16xf32>, vector<16xf32>, vector<16xf32>, vector<16xf32>)  : i32 {
        %mul3A_205 = arith.constant 8 : i32
        %mul3A_206 = arith.muli %scan3A_200, %mul3A_205 : i32
        %add3A_207 = arith.constant 0 : i32
        %add3A_208 = arith.addi %mul3A_206, %add3A_207 : i32
        %broadcast_in_dim3A_209 = vector.broadcast %add3A_208 : i32 to vector<16xi32>
        %gather3A = tpu.vector_load_idx %arg13[%add3A_179, %broadcast_in_dim3A_209] : memref<128x128xf32, #tpu.memory_space<vmem>>[vector<16xi32>, vector<16xi32>], vector<16xf32>,
        %gather3A_210 = tpu.vector_load_idx %arg15[%add3A_179, %broadcast_in_dim3A_209] : memref<128x128xf32, #tpu.memory_space<vmem>>[vector<16xi32>, vector<16xi32>], vector<16xf32>,
        %mul3A_211 = arith.mulf %gather3A, %gather3A_210 : vector<16xf32>
        %add3A_212 = arith.constant 1 : i32
        %add3A_213 = arith.addi %mul3A_206, %add3A_212 : i32
        %broadcast_in_dim3A_214 = vector.broadcast %add3A_213 : i32 to vector<16xi32>
        %gather3A_215 = tpu.vector_load_idx %arg13[%add3A_179, %broadcast_in_dim3A_214] : memref<128x128xf32, #tpu.memory_space<vmem>>[vector<16xi32>, vector<16xi32>], vector<16xf32>,
        %gather3A_216 = tpu.vector_load_idx %arg15[%add3A_179, %broadcast_in_dim3A_214] : memref<128x128xf32, #tpu.memory_space<vmem>>[vector<16xi32>, vector<16xi32>], vector<16xf32>,
        %mul3A_217 = arith.mulf %gather3A_215, %gather3A_216 : vector<16xf32>
        %add3A_218 = arith.constant 2 : i32
        %add3A_219 = arith.addi %mul3A_206, %add3A_218 : i32
        %broadcast_in_dim3A_220 = vector.broadcast %add3A_219 : i32 to vector<16xi32>
        %gather3A_221 = tpu.vector_load_idx %arg13[%add3A_179, %broadcast_in_dim3A_220] : memref<128x128xf32, #tpu.memory_space<vmem>>[vector<16xi32>, vector<16xi32>], vector<16xf32>,
        %gather3A_222 = tpu.vector_load_idx %arg15[%add3A_179, %broadcast_in_dim3A_220] : memref<128x128xf32, #tpu.memory_space<vmem>>[vector<16xi32>, vector<16xi32>], vector<16xf32>,
        %mul3A_223 = arith.mulf %gather3A_221, %gather3A_222 : vector<16xf32>
        %add3A_224 = arith.constant 3 : i32
        %add3A_225 = arith.addi %mul3A_206, %add3A_224 : i32
        %broadcast_in_dim3A_226 = vector.broadcast %add3A_225 : i32 to vector<16xi32>
        %gather3A_227 = tpu.vector_load_idx %arg13[%add3A_179, %broadcast_in_dim3A_226] : memref<128x128xf32, #tpu.memory_space<vmem>>[vector<16xi32>, vector<16xi32>], vector<16xf32>,
        %gather3A_228 = tpu.vector_load_idx %arg15[%add3A_179, %broadcast_in_dim3A_226] : memref<128x128xf32, #tpu.memory_space<vmem>>[vector<16xi32>, vector<16xi32>], vector<16xf32>,
        %mul3A_229 = arith.mulf %gather3A_227, %gather3A_228 : vector<16xf32>
        %add3A_230 = arith.constant 4 : i32
        %add3A_231 = arith.addi %mul3A_206, %add3A_230 : i32
        %broadcast_in_dim3A_232 = vector.broadcast %add3A_231 : i32 to vector<16xi32>
        %gather3A_233 = tpu.vector_load_idx %arg13[%add3A_179, %broadcast_in_dim3A_232] : memref<128x128xf32, #tpu.memory_space<vmem>>[vector<16xi32>, vector<16xi32>], vector<16xf32>,
        %gather3A_234 = tpu.vector_load_idx %arg15[%add3A_179, %broadcast_in_dim3A_232] : memref<128x128xf32, #tpu.memory_space<vmem>>[vector<16xi32>, vector<16xi32>], vector<16xf32>,
        %mul3A_235 = arith.mulf %gather3A_233, %gather3A_234 : vector<16xf32>
        %add3A_236 = arith.constant 5 : i32
        %add3A_237 = arith.addi %mul3A_206, %add3A_236 : i32
        %broadcast_in_dim3A_238 = vector.broadcast %add3A_237 : i32 to vector<16xi32>
        %gather3A_239 = tpu.vector_load_idx %arg13[%add3A_179, %broadcast_in_dim3A_238] : memref<128x128xf32, #tpu.memory_space<vmem>>[vector<16xi32>, vector<16xi32>], vector<16xf32>,
        %gather3A_240 = tpu.vector_load_idx %arg15[%add3A_179, %broadcast_in_dim3A_238] : memref<128x128xf32, #tpu.memory_space<vmem>>[vector<16xi32>, vector<16xi32>], vector<16xf32>,
        %mul3A_241 = arith.mulf %gather3A_239, %gather3A_240 : vector<16xf32>
        %add3A_242 = arith.constant 6 : i32
        %add3A_243 = arith.addi %mul3A_206, %add3A_242 : i32
        %broadcast_in_dim3A_244 = vector.broadcast %add3A_243 : i32 to vector<16xi32>
        %gather3A_245 = tpu.vector_load_idx %arg13[%add3A_179, %broadcast_in_dim3A_244] : memref<128x128xf32, #tpu.memory_space<vmem>>[vector<16xi32>, vector<16xi32>], vector<16xf32>,
        %gather3A_246 = tpu.vector_load_idx %arg15[%add3A_179, %broadcast_in_dim3A_244] : memref<128x128xf32, #tpu.memory_space<vmem>>[vector<16xi32>, vector<16xi32>], vector<16xf32>,
        %mul3A_247 = arith.mulf %gather3A_245, %gather3A_246 : vector<16xf32>
        %add3A_248 = arith.constant 7 : i32
        %add3A_249 = arith.addi %mul3A_206, %add3A_248 : i32
        %broadcast_in_dim3A_250 = vector.broadcast %add3A_249 : i32 to vector<16xi32>
        %gather3A_251 = tpu.vector_load_idx %arg13[%add3A_179, %broadcast_in_dim3A_250] : memref<128x128xf32, #tpu.memory_space<vmem>>[vector<16xi32>, vector<16xi32>], vector<16xf32>,
        %gather3A_252 = tpu.vector_load_idx %arg15[%add3A_179, %broadcast_in_dim3A_250] : memref<128x128xf32, #tpu.memory_space<vmem>>[vector<16xi32>, vector<16xi32>], vector<16xf32>,
        %mul3A_253 = arith.mulf %gather3A_251, %gather3A_252 : vector<16xf32>
        %add3A_254 = arith.addf %mul3A_211, %mul3A_217 : vector<16xf32>
        %add3A_255 = arith.addf %scan3A_201, %add3A_254 : vector<16xf32>
        %add3A_256 = arith.addf %mul3A_223, %mul3A_229 : vector<16xf32>
        %add3A_257 = arith.addf %scan3A_202, %add3A_256 : vector<16xf32>
        %add3A_258 = arith.addf %mul3A_235, %mul3A_241 : vector<16xf32>
        %add3A_259 = arith.addf %scan3A_203, %add3A_258 : vector<16xf32>
        %add3A_260 = arith.addf %mul3A_247, %mul3A_253 : vector<16xf32>
        %add3A_261 = arith.addf %scan3A_204, %add3A_260 : vector<16xf32>
        scf.yield %add3A_255, %add3A_257, %add3A_259, %add3A_261 : vector<16xf32>, vector<16xf32>, vector<16xf32>, vector<16xf32>
      }
      %scan3A_185 = arith.constant 16 : i32
      %add3A_186 = arith.addf %scan3A_184#0, %scan3A_184#1 : vector<16xf32>
      %add3A_187 = arith.addf %scan3A_184#2, %scan3A_184#3 : vector<16xf32>
      %add3A_188 = arith.addf %add3A_186, %add3A_187 : vector<16xf32>
      %get3A_189 = arith.index_cast %multiple_of3A : i32 to index
      %get3A_190 = tpu.vector_load %arg17[%get3A_189] {strides = array<i32>} : memref<128xf32, #tpu.memory_space<vmem>>, vector<16xf32>,
      %add3A_191 = arith.addf %add3A_188, %get3A_190 : vector<16xf32>
      %get3A_192 = arith.index_cast %multiple_of3A : i32 to index
      %get3A_193 = tpu.vector_load %arg19[%get3A_192] {strides = array<i32>} : memref<128xf32, #tpu.memory_space<vmem>>, vector<16xf32>,
      %add3A_194 = arith.addf %add3A_191, %get3A_193 : vector<16xf32>
      %add3A_195 = arith.addf %add3A_194, %get3A_3 : vector<16xf32>
      %add3A_196 = arith.constant 384 : i32
      %add3A_197 = arith.addi %add3A_196, %multiple_of3A : i32
      %swap3A = arith.index_cast %add3A_197 : i32 to index
      %swap3A_198 = tpu.vector_load %arg20[%swap3A] {strides = array<i32>} : memref<512xf32, #tpu.memory_space<vmem>>, vector<16xf32>,
      tpu.vector_store %arg20[%swap3A], %add3A_195 {strides = array<i32>} : memref<512xf32, #tpu.memory_space<vmem>>, vector<16xf32>,
      %scan3A_199 = arith.constant 0 : i32
      scf.yield %scan3A_199 : i32
    }
    %scan3A_173 = arith.constant 8 : i32
    "tpu.region"() ({
      %run_scoped3A = tpu.sem_alloc : memref<!tpu.dma_semaphore, #tpu.memory_space<semaphore_mem>>
      %dma_start3A_174 = tpu.memref_slice %arg9[%mul3A_2] : memref<16384xf32, #tpu.memory_space<hbm>> -> memref<512xf32, #tpu.memory_space<hbm>>
      %dma_start3A_175 = tpu.memref_slice %arg9[%mul3A_2] : memref<16384xf32, #tpu.memory_space<hbm>> -> memref<512xf32, #tpu.memory_space<hbm>>
      tpu.enqueue_dma source(%arg20 : memref<512xf32, #tpu.memory_space<vmem>>) target(%dma_start3A_175 : memref<512xf32, #tpu.memory_space<hbm>>) target_semaphore(%run_scoped3A : memref<!tpu.dma_semaphore, #tpu.memory_space<semaphore_mem>>)
      %dma_wait3A_176 = tpu.memref_slice %arg9[%mul3A_2] : memref<16384xf32, #tpu.memory_space<hbm>> -> memref<512xf32, #tpu.memory_space<hbm>>
      %dma_wait3A_177 = tpu.memref_slice %arg9[%mul3A_2] : memref<16384xf32, #tpu.memory_space<hbm>> -> memref<512xf32, #tpu.memory_space<hbm>>
      tpu.wait_dma2 semaphore(%run_scoped3A : memref<!tpu.dma_semaphore, #tpu.memory_space<semaphore_mem>>) src(%arg20 : memref<512xf32, #tpu.memory_space<vmem>>) dst(%dma_wait3A_177 : memref<512xf32, #tpu.memory_space<hbm>>)
      tpu.yield
    }) : () -> ()
    return
  }
}

</mosaic_0001>

<sc_bundles>
// kernel: kernel.3.cloned.1.call-start
scs
__scs_entry_jumppad:
0x0: {  	(pc) =	sbr.rel $0x88, $3  }
0x1: {  	(tag) =	ssettag $0x0;
	lr =	simm.s32 $0x1  }
0x2: {  	[smem:$0x3F9A] =	sst lr;
	_ =	strace $0xD0000000  }
0x3: {  	_ = 	snop  }
0x4: {  	_ = 	snop  }
0x5: {  	_ = 	snop  }
0x6: {  	_ = 	snop  }
0x7: {  	_ = 	snop  }
__scs_overlays_trampoline_lowered:
0x8: {  	[smem:$0x3FA9] =	sst s0  }
0x9: {  	[smem:$0x3FAA] =	sst s1  }
0xa: {  	[smem:$0x3FAB] =	sst s2  }
0xb: {  	[smem:$0x3FAC] =	sst s3  }
0xc: {  	[smem:$0x3FAD] =	sst s4  }
0xd: {  	[smem:$0x3FAE] =	sst s5  }
0xe: {  	[smem:$0x3FAF] =	sst s6  }
0xf: {  	[smem:$0x3FB0] =	sst s7  }
0x10: {  	[smem:$0x3FB1] =	sst s8  }
0x11: {  	[smem:$0x3FB2] =	sst s9;
	s0 =	simm.s32 @!p0 $0x0  }
0x12: {  	s1 =	sld [smem:$0x3F98];
	s0 =	simm.s32 @p0 $0x1  }
0x13: {  	[smem:$0x3FB3] =	sst s0;
	s0 =	simm.s32 @!p1 $0x0  }
0x14: {  	s2 =	sld [smem:$0x3F97];
	s0 =	simm.s32 @p1 $0x1  }
0x15: {  	[smem:$0x3FB4] =	sst s0;
	s0 =	simm.s32 @!p2 $0x0  }
0x16: {  	s3 =	sld [smem:$0x3FDB];
	s0 =	simm.s32 @p2 $0x1  }
0x17: {  	s4 =	simm.s32 $0x1BF5;
	[smem:$0x3FB6] =	sst s0  }
0x18: {  	s0 =	sld [smem:$0x3F99];
	_ =	swait.ge [sflag:s4], $0x0  }
0x19: {  	s7 =	sld [smem:$0x3F9A]  }
0x1a: {  	s8 =	sadd.s32 $0xFFFFE003, lr  }
0x1b: {  	s9 =	sadd.s32 $0xFFFFFEF7, lr;
	s5 =	simm.s32 $0xFFFFFFFF;
	p2 =	slt.u32 s8, $0xFFFFF086  }
0x1c: {  	p1 =	slt.u32 s9, $0xF7A;
	s5 =	simm.s32 @!p2 $0x0  }
0x1d: {  	s5 =	simm.s32 @p1 $0x1;
	p0 =	seq.s32 s7, s2  }
0x1e: {  	s7 =	smul.u32 @!p0 $0xF7A, s2;
	p2 =	seq.s32 @!p0 s5, $0x0  }
0x1f: {  	s9 =	smul.u32 $0xF7A, s1;
	s8 =	simm.s32 @!p0 $0x1BF5;
	p2 =	por !p2, p0  }
0x20: {  	[sflag:s8] =	ssyncset.s32 @!p0 $0xFFFFF086;
	s6 =	sadd.s32 @!p0 s3, s7;
	s7 =	simm.s32 @!p0 $0x108  }
0x21: {  	s3 =	sadd.s32 s3, s9;
	s6 =	sadd.s32 @!p0 $0x88, s6;
	s7 =	simm.s32 @p2 $0x1082  }
0x22: {  	[simem:s7], [sflag:s8] =	dma.local @!p0 [hbm:s6], $0xF7A  }
0x23: {  	s9 =	sor.u32 $0xD0000000, s2;
	s6 =	simm.s32 $0x108;
	_ =	swait.ge @!p0 [sflag:s8], $0x0  }
0x24: {  	s3 =	sadd.s32 $0x88, s3;
	s6 =	simm.s32 @!p1 $0x1082;
	[sflag:s4] =	ssyncset.s32 $0xFFFFF086  }
0x25: {  	[simem:s6], [sflag:s4] =	dma.local [hbm:s3], $0xF7A  }
0x26: {  	[smem:$0x3F9A] =	sst s1;
	(tag) =	ssettag s2;
	_ =	strace s9  }
0x27: {  	s1 =	sld [smem:$0x3FAA]  }
0x28: {  	s2 =	sld [smem:$0x3FAB]  }
0x29: {  	s4 =	sld [smem:$0x3FAD]  }
0x2a: {  	p0 =	seq.s32 s5, $0x0;
	s5 =	sld [smem:$0x3FAE]  }
0x2b: {  	s6 =	sld [smem:$0x3FAF]  }
0x2c: {  	s7 =	sld [smem:$0x3FB0]  }
0x2d: {  	s3 =	simm.s32 $0x108;
	s8 =	sld [smem:$0x3FB1]  }
0x2e: {  	s3 =	simm.s32 @!p0 $0x1082;
	s9 =	sld [smem:$0x3FB2]  }
0x2f: {  	lr =	sadd.s32 s0, s3;
	s0 =	sld [smem:$0x3FA9]  }
0x30: {  	s3 =	sld [smem:$0x3FAC]  }
0x31: {  	[smem:$0x3FB5] =	sst s10  }
0x32: {  	s10 =	sld [smem:$0x3FB3];
	_ =	sdelay $0x3  }
0x33: {  	p0 =	seq.s32 s10, $0x1;
	s10 =	sld [smem:$0x3FB5];
	_ =	sdelay $0x3  }
0x34: {  	[smem:$0x3FB5] =	sst s10  }
0x35: {  	s10 =	sld [smem:$0x3FB4];
	_ =	sdelay $0x3  }
0x36: {  	p1 =	seq.s32 s10, $0x1;
	s10 =	sld [smem:$0x3FB5];
	_ =	sdelay $0x3  }
0x37: {  	[smem:$0x3FB5] =	sst s10  }
0x38: {  	s10 =	sld [smem:$0x3FB6]  }
0x39: {  	_ = 	snop;
	(pc) =	sbr.ind lr, $3  }
0x3a: {  	_ = 	snop  }
0x3b: {  	_ = 	snop  }
0x3c: {  	p2 =	seq.s32 s10, $0x1;
	s10 =	sld [smem:$0x3FB5]  }
0x3d: {  	_ =	shalt  }
0x3e: {  	_ =	shalt  }
0x3f: {  	_ =	shalt  }
0x40: {  	_ =	shalt  }
0x41: {  	_ =	shalt  }
0x42: {  	_ =	shalt  }
0x43: {  	_ =	shalt  }
0x44: {  	_ =	shalt  }
0x45: {  	_ =	shalt  }
0x46: {  	_ =	shalt  }
0x47: {  	_ =	shalt  }
0x48: {  	_ =	shalt  }
0x49: {  	_ =	shalt  }
0x4a: {  	_ =	shalt  }
0x4b: {  	_ =	shalt  }
0x4c: {  	_ =	shalt  }
0x4d: {  	_ =	shalt  }
0x4e: {  	_ =	shalt  }
0x4f: {  	_ =	shalt  }
0x50: {  	_ =	shalt  }
0x51: {  	_ =	shalt  }
0x52: {  	_ =	shalt  }
0x53: {  	_ =	shalt  }
0x54: {  	_ =	shalt  }
0x55: {  	_ =	shalt  }
0x56: {  	_ =	shalt  }
0x57: {  	_ =	shalt  }
0x58: {  	_ =	shalt  }
0x59: {  	_ =	shalt  }
0x5a: {  	_ =	shalt  }
0x5b: {  	_ =	shalt  }
0x5c: {  	_ =	shalt  }
0x5d: {  	_ =	shalt  }
0x5e: {  	_ =	shalt  }
0x5f: {  	_ =	shalt  }
0x60: {  	_ =	shalt  }
0x61: {  	_ =	shalt  }
0x62: {  	_ =	shalt  }
0x63: {  	_ =	shalt  }
0x64: {  	_ =	shalt  }
0x65: {  	_ =	shalt  }
0x66: {  	_ =	shalt  }
0x67: {  	_ =	shalt  }
0x68: {  	_ =	shalt  }
0x69: {  	_ =	shalt  }
0x6a: {  	_ =	shalt  }
0x6b: {  	_ =	shalt  }
0x6c: {  	_ =	shalt  }
0x6d: {  	_ =	shalt  }
0x6e: {  	_ =	shalt  }
0x6f: {  	_ =	shalt  }
0x70: {  	_ =	shalt  }
0x71: {  	_ =	shalt  }
0x72: {  	_ =	shalt  }
0x73: {  	_ =	shalt  }
0x74: {  	_ =	shalt  }
0x75: {  	_ =	shalt  }
0x76: {  	_ =	shalt  }
0x77: {  	_ =	shalt  }
0x78: {  	_ =	shalt  }
0x79: {  	_ =	shalt  }
0x7a: {  	_ =	shalt  }
0x7b: {  	_ =	shalt  }
0x7c: {  	_ =	shalt  }
0x7d: {  	_ =	shalt  }
0x7e: {  	_ =	shalt  }
0x7f: {  	_ =	shalt  }
0x80: {  	_ =	shalt  }
0x81: {  	_ =	shalt  }
0x82: {  	_ =	shalt  }
0x83: {  	_ =	shalt  }
0x84: {  	_ =	shalt  }
0x85: {  	_ =	shalt  }
0x86: {  	_ =	shalt  }
0x87: {  	_ =	shalt  }
.Lfunc_end0:
.L_simem_size_0:
called_computation_lowered:
.L_overlay_start_0:
0x88: {  	s2 =	sld [smem:$0x3FD9]  }
0x89: {  	s3 =	sld [smem:$0x3FFE];
	_ =	sdelay $0x1  }
0x8a: {  	s1 =	srdreg.scid  }
0x8b: {  	s0 =	sand.u32 $0x1, s1  }
0x8c: {  	s17 =	sshll.u32 s0, $0xA;
	s2 =	sadd.s32 s3, s2  }
0x8d: {  	s2 =	sadd.s32 s2, s17  }
0x8e: {  	[smem:$0x3FC1] =	sst s2  }
0x8f: {  	_ = 	snop  }
0x90: {  	s2 =	sld [smem:$0x3FC9]  }
0x91: {  	s18 =	sld [smem:$0x3FC8]  }
0x92: {  	s4 =	sld [smem:$0x3FC7]  }
0x93: {  	s5 =	sld [smem:$0x3FC6]  }
0x94: {  	s6 =	sld [smem:$0x3FD0];
	(tm) =	ssettm $0x1  }
0x95: {  	s7 =	sld [smem:$0x3FFB];
	_ =	sdelay $0x3  }
0x96: {  	_ =	strace s7  }
0x97: {  	s7 =	sld [smem:$0x3FFC];
	_ =	sdelay $0x3  }
0x98: {  	_ =	strace s7  }
0x99: {  	s7 =	sld [smem:$0x3FFD];
	_ =	sdelay $0x3  }
0x9a: {  	_ =	strace s7  }
0x9b: {  	_ =	strace $0x8FFFFFFF  }
0x9c: {  	s19 =	sld [smem:$0x3FDB];
	_ =	sdelay $0x1  }
0x9d: {  	s8 =	simm.s32 $_scs_section_size  }
0x9e: {  	s9 =	simm.s32 $_size__tile_overlayer_lowered;
	s10 =	simm.s32 $_tile_overlayer_lowered  }
0x9f: {  	s22 =	simm.s32 $0x1BFF;
	s21 =	sshll.u32 s10, $0x1;
	s7 =	sadd.s32 s8, s19  }
0xa0: {  	s11 =	simm.s32 $0x0;
	s20 =	sshll.u32 s9, $0x1;
	s9 =	sadd.s32 s21, s7  }
0xa1: {  	[timem:s11], [sflag:s22] =	dma.local [hbm:s9], s20  }
0xa2: {  	_ =	swait.ge [sflag:s22], s20  }
0xa3: {  	s8 =	ssub.s32 $0x0, s20;
	[sflag:s22] =	ssyncset.done $0x0  }
0xa4: {  	[sflag:s22] =	ssyncadd.s32 s8;
	_ =	sdelay $0x1  }
0xa5: {  	s23 =	simm.s32 $0x1B8B  }
0xa6: {  	_ =	swait.ge [sflag:s23], $0x1  }
0xa7: {  	[sflag:s23] =	ssyncset.done $0x0  }
0xa8: {  	s25 =	simm.s32 $0x1B8E;
	s24 =	sld [smem:$0x3FFE];
	[sflag:s23] =	ssyncadd.s32 $0xFFFFFFFF  }
0xa9: {  	s26 =	simm.s32 $execute0_lowered;
	[smem:$0x3FD2] =	sst s25  }
0xaa: {  	s9 =	sshll.u32 s26, $0x1;
	_ =	strace $0x80000046;
	[dreg:$0x1] =	wrdreg $0xFFFFFFFF  }
0xab: {  	s28 =	simm.s32 $_size_execute0_lowered;
	s7 =	sadd.s32 s7, s9;
	[dreg:$0x0] =	wrdreg $0x0  }
0xac: {  	s9 =	sshll.u32 s28, $0x1;
	[dreg:$0x2] =	wrdreg s7  }
0xad: {  	[dreg:$0x3] =	wrdreg s9  }
0xae: {  	[dreg:$0x4] =	wrdreg $0xC0  }
0xaf: {  	_ =	task [dreg:s11], $0x5FFFF  }
0xb0: {  	[dreg:$0x1] =	wrdreg $0xFFFFFFFF  }
0xb1: {  	[dreg:$0x0] =	wrdreg $0x60  }
0xb2: {  	[dreg:$0x2] =	wrdreg s2  }
0xb3: {  	[dreg:$0x3] =	wrdreg s18  }
0xb4: {  	[dreg:$0x4] =	wrdreg s4  }
0xb5: {  	[dreg:$0x5] =	wrdreg s5  }
0xb6: {  	[dreg:$0x6] =	wrdreg s24  }
0xb7: {  	[dreg:$0x7] =	wrdreg s6  }
0xb8: {  	[dreg:$0x8] =	wrdreg $0x9  }
0xb9: {  	_ =	task.clear_ibuf [dreg:s11], $0x9FFFF;
	_ =	strace $0x90000046  }
0xba: {  	s29 =	simm.s32 $0x9;
	_ =	strace $0x80000048  }
0xbb: {  	_ =	swait.ge [sflag:s29], $0x1  }
0xbc: {  	[sflag:s29] =	ssyncadd.s32 $0xFFFFFFFF  }
0xbd: {  	_ =	strace $0x90000048  }
0xbe: {  	_ =	sfence  }
0xbf: {  	s30 =	sld [smem:$0x0];
	_ =	sdelay $0x2  }
0xc0: {  	s31 =	sshll.u32 s1, $0xD;
	s1 =	sshrl.u32 s1, $0x2  }
0xc1: {  	s3 =	sand.u32 $0x4000, s31;
	s1 =	sadd.s32 s1, s30  }
0xc2: {  	s0 =	sor.u32 s3, s0;
	s1 =	sshll.u32 s1, $0x11  }
0xc3: {  	s0 =	sor.u32 s1, s0  }
0xc4: {  	s0 =	sadd.s32 $0x8F2B, s0  }
0xc5: {  	[sflag:s0] =	ssyncadd.remote.s32 $0x1  }
0xc6: {  	_ =	sfence.sel $0xFFFF  }
0xc7: {  	[dreg:$0x0] =	wrdreg $0xFFFFFFFF;
	(pc) =	sbr.abs _section_cstart, $3  }
0xc8: {  	[dreg:$0x1] =	wrdreg $0xFFFFFFFF  }
0xc9: {  	_ =	task.clear_ibuf [dreg:s11], $0x2FFFF;
	_ =	strace $0x9FFFFFFF  }
0xca: {  	(tm) =	ssettm $0x7FFFFFFF  }
0xcb: {  	_ =	shalt  }
tec
execute0_lowered:
.L_overlay_start_1:
0x0: {  	(tag) =	ssettag $0x1  }
0x1: {  	s0 =	rddreg [dreg:$0x0]  }
0x2: {  	s4 =	rddreg [dreg:$0x1]  }
0x3: {  	s1 =	rddreg [dreg:$0x2]  }
0x4: {  	s2 =	rddreg [dreg:$0x3]  }
0x5: {  	s3 =	rddreg [dreg:$0x4]  }
0x6: {  	s10 =	rddreg [dreg:$0x5]  }
0x7: {  	s5 =	simm.s32 $0x0;
	s6 =	srdreg.scid;
	s7 =	stileid.u32  }
0x8: {  	s13 =	simm.s32 $0x3;
	s14 =	simm.s32 $0x200;
	s15 =	simm.s32 $0x80  }
0x9: {  	s16 =	simm.s32 $0x400;
	s17 =	simm.s32 $0x8400;
	s20 =	simm.s32 $0x4400  }
0xa: {  	s22 =	simm.s32 $0xC400;
	s25 =	simm.s32 $0x1;
	s28 =	simm.s32 $0x300  }
0xb: {  	s29 =	simm.s32 $0x2;
	s30 =	simm.s32 $0x180;
	s31 =	simm.s32 $0x380  }
0xc: {  	[smem:$0x7FF] =	sst s5;
	s6 =	sand.u32 $0x1, s6;
	s7 =	sshll.u32 s7, $0x7  }
0xd: {  	s26 =	sadd.s32 $0x21C00, s3;
	_ =	strace $0x80000047;
	s8 =	ssub.s32 $0x2, s6  }
0xe: {  	s9 =	sshll.u32 s6, $0x6;
	s6 =	sadd.s32 $0x3200, s3;
	[dreg:$0x7] =	wrdreg s26  }
0xf: {  	s26 =	simm.s32 $0x100;
	s11 =	sshrl.u32 s8, $0x1;
	s12 =	sor.u32 s9, s7  }
0x10: {  	v0 =	vlaneseq.u32;
	s11 =	ssub.s32 s8, s11;
	s8 =	sadd.s32 s0, s12;
	s9 =	sadd.s32 s4, s12  }
0x11: {  	v0 =	vmul.u32 $0x80, v0;
	s10 =	sadd.s32 s10, s12;
	s4 =	simm.s32 $0x0;
	s11 =	smax.u32 s11, $0x1  }
.LBB2_1:
0x12: {  	s0 =	rddreg [dreg:$0x7];
	s7 =	simm.s32 $0x10800  }
0x13: {  	[tilespmem:s7], [sflag:$0x3] =	stream.linear.gather [hbm4b:s0+s5], $0x80, $0x38;
	[tilespmem:$0x10880] =	vst v63  }
0x14: {  	_ =	swait.ge [sflag:s13], $0x80  }
0x15: {  	[sflag:s13] =	ssyncset.done $0x0  }
0x16: {  	[sflag:s13] =	ssyncadd.s32 $0xFFFFFF80  }
0x17: {  	v1 =	vld [tilespmem:$0x10800];
	[tilespmem:s5], [sflag:$0x3] =	stream.linear.gather [hbm4b:s8+s5], $0x200, $0x38  }
0x18: {  	_ =	swait.ge [sflag:s13], $0x200  }
0x19: {  	[sflag:s13] =	ssyncset.done $0x0  }
0x1a: {  	[sflag:s13] =	ssyncadd.s32 $0xFFFFFE00  }
0x1b: {  	[tilespmem:s14], [sflag:$0x3] =	stream.linear.gather [hbm4b:s9+s5], $0x200, $0x38;
	[tilespmem:$0x10880] =	vst v63  }
0x1c: {  	_ =	swait.ge [sflag:s13], $0x200  }
0x1d: {  	[sflag:s13] =	ssyncset.done $0x0  }
0x1e: {  	[sflag:s13] =	ssyncadd.s32 $0xFFFFFE00  }
0x1f: {  	[tilespmem:s16], [sflag:$0x1] =	stream.indirect.gather [hbm4b:s1+s15], $0x80, s5, s15, $0xb8;
	[tilespmem:$0x10880] =	vst v63  }
0x20: {  	_ = 	snop  }
0x21: {  	[tilespmem:s17], [sflag:$0x1] =	stream.indirect.gather [hbm4b:s2+s15], $0x80, s14, s15, $0xb8;
	[tilespmem:$0x10880] =	vst v63  }
0x22: {  	s18 =	simm.s32 $0x10400  }
0x23: {  	[tilespmem:s18], [sflag:$0x1] =	stream.indirect.gather [hbm4b:s3+s15], $0x1, s5, s15, $0xb8;
	[tilespmem:$0x10880] =	vst v63  }
0x24: {  	s19 =	simm.s32 $0x10500  }
0x25: {  	[tilespmem:s19], [sflag:$0x1] =	stream.indirect.gather [hbm4b:s6+s15], $0x1, s14, s15, $0xb8;
	[tilespmem:$0x10880] =	vst v63  }
0x26: {  	_ = 	snop  }
0x27: {  	[tilespmem:s20], [sflag:$0x2] =	stream.indirect.gather [hbm4b:s1+s15], $0x80, s15, s15, $0xb8;
	[tilespmem:$0x10880] =	vst v63  }
0x28: {  	s21 =	simm.s32 $0x280  }
0x29: {  	[tilespmem:s22], [sflag:$0x2] =	stream.indirect.gather [hbm4b:s2+s15], $0x80, s21, s15, $0xb8;
	[tilespmem:$0x10880] =	vst v63  }
0x2a: {  	s23 =	simm.s32 $0x10480  }
0x2b: {  	[tilespmem:s23], [sflag:$0x2] =	stream.indirect.gather [hbm4b:s3+s15], $0x1, s15, s15, $0xb8;
	[tilespmem:$0x10880] =	vst v63  }
0x2c: {  	s24 =	simm.s32 $0x10580  }
0x2d: {  	[tilespmem:s24], [sflag:$0x2] =	stream.indirect.gather [hbm4b:s6+s15], $0x1, s21, s15, $0xb8;
	[tilespmem:$0x10880] =	vst v63  }
0x2e: {  	_ =	swait.ge [sflag:s25], $0x4000  }
0x2f: {  	[sflag:s25] =	ssyncset.done $0x0  }
0x30: {  	[sflag:s25] =	ssyncadd.s32 $0xFFFFC000  }
0x31: {  	_ =	swait.ge [sflag:s25], $0x4000  }
0x32: {  	[sflag:s25] =	ssyncset.done $0x0  }
0x33: {  	[sflag:s25] =	ssyncadd.s32 $0xFFFFC000  }
0x34: {  	_ =	swait.ge [sflag:s25], $0x80  }
0x35: {  	[sflag:s25] =	ssyncset.done $0x0  }
0x36: {  	[sflag:s25] =	ssyncadd.s32 $0xFFFFFF80  }
0x37: {  	_ =	swait.ge [sflag:s25], $0x80  }
0x38: {  	[sflag:s25] =	ssyncset.done $0x0  }
0x39: {  	s12 =	simm.s32 $0x0;
	[sflag:s25] =	ssyncadd.s32 $0xFFFFFF80  }
.LBB2_2:
0x3a: {  	s0 =	sshll.u32 s12, $0x4;
	s18 =	simm.s32 $0x0  }
0x3b: {  	s19 =	simm.s32 $0x1;
	s21 =	simm.s32 $0x3;
	v2 =	vmov s0;
	v3 =	vmov s18  }
0x3c: {  	v4 =	vmov s19;
	v5 =	vmov s21;
	v3 =	vand.u32 $0x78, v3  }
0x3d: {  	v2 =	vshll.u32 v2, $0x7;
	v4 =	vand.u32 $0x79, v4;
	v3 =	vbroadcast v3, $0x0  }
0x3e: {  	v5 =	vand.u32 $0x7B, v5;
	v2 =	vor.u32 v0, v2;
	v4 =	vbroadcast v4, $0x0  }
0x3f: {  	v5 =	vbroadcast v5, $0x0;
	v6 =	vor.u32 v2, v3  }
0x40: {  	s24 =	simm.s32 $0x2;
	v3 =	vor.u32 v2, v4  }
0x41: {  	s7 =	simm.s32 $0x5;
	v7 =	vmov s24;
	v5 =	vor.u32 v2, v5  }
0x42: {  	v8 =	vmov s7;
	v7 =	vand.u32 $0x7A, v7  }
0x43: {  	v8 =	vand.u32 $0x7D, v8;
	v7 =	vbroadcast v7, $0x0  }
0x44: {  	s19 =	simm.s32 $0x6;
	v8 =	vbroadcast v8, $0x0;
	v9 =	vld.idx.msk [tilespmem:v6+s17+$0x0], $0xffff  }
0x45: {  	s23 =	simm.s32 $0x4;
	v10 =	vmov s19;
	v7 =	vor.u32 v2, v7;
	v11 =	vld.idx.msk [tilespmem:v3+s17+$0x0], $0xffff  }
0x46: {  	s21 =	simm.s32 $0x7;
	v10 =	vand.u32 $0x7E, v10;
	v4 =	vmov s23;
	v8 =	vor.u32 v2, v8;
	v12 =	vld.idx.msk [tilespmem:v5+s16+$0x0], $0xffff  }
0x47: {  	v13 =	vmov s21;
	v10 =	vbroadcast v10, $0x0;
	v4 =	vand.u32 $0x7C, v4;
	v5 =	vld.idx.msk [tilespmem:v5+s17+$0x0], $0xffff  }
0x48: {  	v13 =	vand.u32 $0x7F, v13;
	v4 =	vbroadcast v4, $0x0;
	v14 =	vld.idx.msk [tilespmem:v3+s16+$0x0], $0xffff  }
0x49: {  	s24 =	simm.s32 $0x9;
	s7 =	simm.s32 $0xB;
	v13 =	vbroadcast v13, $0x0;
	v15 =	vor.u32 v2, v10;
	v6 =	vld.idx.msk [tilespmem:v6+s16+$0x0], $0xffff  }
0x4a: {  	v16 =	vmov s24;
	v18 =	vmov s7;
	s23 =	simm.s32 $0x8;
	v4 =	vor.u32 v2, v4;
	v20 =	vld.idx.msk [tilespmem:v7+s16+$0x0], $0xffff  }
0x4b: {  	s21 =	simm.s32 $0xC;
	v10 =	vmov s23;
	v21 =	vor.u32 v2, v13;
	v13 =	vand.u32 $0x79, v16;
	v22 =	vld.idx.msk [tilespmem:v8+s16+$0x0], $0xffff  }
0x4c: {  	s19 =	simm.s32 $0xE;
	v19 =	vmov s21;
	v10 =	vand.u32 $0x78, v10;
	v13 =	vbroadcast v13, $0x0;
	v7 =	vld.idx.msk [tilespmem:v7+s17+$0x0], $0xffff  }
0x4d: {  	v16 =	vand.u32 $0x7B, v18;
	v18 =	vmov s19;
	v10 =	vbroadcast v10, $0x0;
	v23 =	vld.idx.msk [tilespmem:v8+s17+$0x0], $0xffff  }
0x4e: {  	v18 =	vand.u32 $0x7E, v18;
	v24 =	vor.u32 v2, v13;
	v13 =	vand.u32 $0x7C, v19;
	v8 =	vld.idx.msk [tilespmem:v15+s16+$0x0], $0xffff  }
0x4f: {  	s21 =	simm.s32 $0xA;
	v3 =	vimm.f32 $0.0e+00;
	v10 =	vor.u32 v2, v10;
	v17 =	vld.idx.msk [tilespmem:v4+s16+$0x0], $0xffff;
	v5 =	vmul.f32 v5, v12  }
0x50: {  	v26 =	vld.idx.msk [tilespmem:v4+s17+$0x0], $0xffff;
	v4 =	vmov s21;
	v12 =	vbroadcast v16, $0x0;
	v11 =	vmul.f32 v11, v14  }
0x51: {  	v6 =	vmul.f32 v9, v6;
	v4 =	vand.u32 $0x7A, v4;
	v9 =	vbroadcast v13, $0x0;
	v13 =	vld.idx.msk [tilespmem:v21+s17+$0x0], $0xffff  }
0x52: {  	s23 =	simm.s32 $0xD;
	v7 =	vmul.f32 v7, v20;
	v16 =	vld.idx.msk [tilespmem:v21+s16+$0x0], $0xffff;
	v20 =	vmul.f32 v23, v22;
	v25 =	vor.u32 v2, v12  }
0x53: {  	v14 =	vmov s23;
	v22 =	vbroadcast v18, $0x0;
	v18 =	vld.idx.msk [tilespmem:v24+s16+$0x0], $0xffff;
	v4 =	vbroadcast v4, $0x0  }
0x54: {  	v14 =	vand.u32 $0x7D, v14;
	v12 =	vld.idx.msk [tilespmem:v15+s17+$0x0], $0xffff;
	v19 =	vadd.f32 v11, v6;
	v9 =	vor.u32 v2, v9  }
0x55: {  	s24 =	simm.s32 $0xF;
	v6 =	vld.idx.msk [tilespmem:v10+s17+$0x0], $0xffff;
	v21 =	vbroadcast v14, $0x0;
	v5 =	vadd.f32 v5, v7;
	v15 =	vor.u32 v2, v4  }
0x56: {  	v11 =	vld.idx.msk [tilespmem:v24+s17+$0x0], $0xffff;
	v4 =	vadd.f32 v19, v3;
	v19 =	vmov s24;
	v23 =	vmul.f32 v26, v17  }
0x57: {  	v5 =	vadd.f32 v5, v3;
	v7 =	vand.u32 $0x7F, v19;
	v19 =	vor.u32 v2, v21;
	v14 =	vld.idx.msk [tilespmem:v25+s16+$0x0], $0xffff  }
0x58: {  	s18 =	simm.s32 $0x17;
	v21 =	vbroadcast v7, $0x0;
	v20 =	vadd.f32 v20, v23;
	v7 =	vimm.f32 $0.0e+00;
	v17 =	vld.idx.msk [tilespmem:v25+s17+$0x0], $0xffff  }
.LBB2_3:
0x59: {  	s21 =	sadd.s32 $0xFFFFFFF9, s18  }
0x5a: {  	s23 =	sadd.s32 $0xFFFFFFFA, s18;
	s7 =	sadd.s32 $0xFFFFFFFB, s18;
	v23 =	vld.idx.msk [tilespmem:v10+s16+$0x0], $0xffff;
	v22 =	vor.u32 v2, v22;
	v12 =	vmul.f32 v12, v8;
	v13 =	vmul.f32 v13, v16;
	s19 =	smov.u32 s18  }
0x5b: {  	s24 =	sadd.s32 $0xFFFFFFFE, s18;
	v8 =	vmov s21;
	v10 =	vmov s23;
	s21 =	sadd.s32 $0xFFFFFFFC, s18;
	s23 =	sadd.s32 $0xFFFFFFFD, s18;
	v24 =	vld.idx.msk [tilespmem:v9+s16+$0x0], $0xffff;
	v3 =	vadd.f32 v20, v3  }
0x5c: {  	p0 =	sne.s32 s18, $0x7F;
	s18 =	sadd.s32 $0x8, s18;
	v21 =	vor.u32 v2, v21;
	v16 =	vmov s21;
	v20 =	vmov s23;
	s21 =	sadd.s32 $0xFFFFFFFF, s19;
	v25 =	vld.idx.msk [tilespmem:v15+s16+$0x0], $0xffff  }
0x5d: {  	v8 =	vand.u32 $0x78, v8;
	v10 =	vand.u32 $0x79, v10;
	v26 =	vmov s21;
	v27 =	vld.idx.msk [tilespmem:v19+s16+$0x0], $0xffff  }
0x5e: {  	v8 =	vbroadcast v8, $0x0;
	v16 =	vand.u32 $0x7B, v16;
	v17 =	vmul.f32 v17, v14;
	v15 =	vld.idx.msk [tilespmem:v15+s17+$0x0], $0xffff  }
0x5f: {  	v28 =	vmov s24;
	v14 =	vbroadcast v10, $0x0;
	v16 =	vbroadcast v16, $0x0;
	v19 =	vld.idx.msk [tilespmem:v19+s17+$0x0], $0xffff  }
0x60: {  	v26 =	vand.u32 $0x7E, v26;
	v11 =	vmul.f32 v11, v18;
	v10 =	vor.u32 v2, v8;
	v8 =	vld.idx.msk [tilespmem:v22+s16+$0x0], $0xffff  }
0x61: {  	v18 =	vor.u32 v2, v14;
	v29 =	vor.u32 v2, v16;
	v30 =	vld.idx.msk [tilespmem:v9+s17+$0x0], $0xffff;
	v9 =	vadd.f32 v13, v12  }
0x62: {  	v14 =	vand.u32 $0x7C, v20;
	v6 =	vmul.f32 v6, v23;
	v13 =	vmov s7;
	v12 =	vld.idx.msk [tilespmem:v22+s17+$0x0], $0xffff  }
0x63: {  	v14 =	vbroadcast v14, $0x0;
	v16 =	vand.u32 $0x7A, v13;
	v13 =	vld.idx.msk [tilespmem:v21+s17+$0x0], $0xffff;
	v7 =	vadd.f32 v9, v7  }
0x64: {  	v20 =	vbroadcast v16, $0x0;
	v22 =	vmul.f32 v15, v25;
	v16 =	vld.idx.msk [tilespmem:v21+s16+$0x0], $0xffff;
	v21 =	vadd.f32 v11, v6  }
.Ltmp0:
0x65: {  	v9 =	vor.u32 v2, v14;
	v14 =	vand.u32 $0x7D, v28;
	v23 =	vmul.f32 v19, v27;
	v6 =	vld.idx.msk [tilespmem:v10+s17+$0x0], $0xffff;
	(pc) =	sbr.rel @p0 .LBB2_3-.Ltmp0, $4  }
0x66: {  	v19 =	vbroadcast v14, $0x0;
	v15 =	vor.u32 v2, v20;
	v11 =	vld.idx.msk [tilespmem:v18+s17+$0x0], $0xffff;
	v4 =	vadd.f32 v21, v4  }
0x67: {  	v20 =	vmov s19;
	v25 =	vadd.f32 v17, v22;
	v24 =	vmul.f32 v30, v24;
	v14 =	vld.idx.msk [tilespmem:v29+s16+$0x0], $0xffff  }
0x68: {  	v22 =	vbroadcast v26, $0x0;
	v19 =	vor.u32 v2, v19;
	v20 =	vand.u32 $0x7F, v20;
	v17 =	vld.idx.msk [tilespmem:v29+s17+$0x0], $0xffff  }
0x69: {  	v21 =	vbroadcast v20, $0x0;
	v5 =	vadd.f32 v25, v5;
	v20 =	vadd.f32 v23, v24;
	v18 =	vld.idx.msk [tilespmem:v18+s16+$0x0], $0xffff  }
0x6a: {  	_ =	sdelay $0x3  }
0x6b: {  	v10 =	vld.idx.msk [tilespmem:v10+s16+$0x0], $0xffff  }
0x6c: {  	v23 =	vld.idx.msk [tilespmem:v9+s16+$0x0], $0xffff  }
0x6d: {  	v22 =	vor.u32 v2, v22;
	v24 =	vld.idx.msk [tilespmem:v15+s16+$0x0], $0xffff  }
0x6e: {  	v25 =	vld.idx.msk [tilespmem:v19+s16+$0x0], $0xffff  }
0x6f: {  	v54 =	vld.idx.msk [tilespmem:v15+s17+$0x0], $0xffff;
	v2 =	vor.u32 v2, v21  }
0x70: {  	v55 =	vld.idx.msk [tilespmem:v19+s17+$0x0], $0xffff  }
0x71: {  	v57 =	vld.idx.msk [tilespmem:v9+s17+$0x0], $0xffff  }
0x72: {  	v56 =	vld.idx.msk [tilespmem:v22+s16+$0x0], $0xffff  }
0x73: {  	v22 =	vld.idx.msk [tilespmem:v22+s17+$0x0], $0xffff  }
0x74: {  	v26 =	vld.idx.msk [tilespmem:v2+s17+$0x0], $0xffff  }
0x75: {  	v2 =	vld.idx.msk [tilespmem:v2+s16+$0x0], $0xffff  }
0x76: {  	v8 =	vmul.f32 v12, v8;
	v58 =	vmul.f32 v13, v16  }
0x77: {  	v59 =	vmul.f32 v17, v14;
	v11 =	vmul.f32 v11, v18  }
0x78: {  	v8 =	vadd.f32 v58, v8;
	v6 =	vmul.f32 v6, v10;
	v60 =	vmul.f32 v54, v24  }
0x79: {  	v3 =	vadd.f32 v20, v3;
	v61 =	vmul.f32 v55, v25;
	v9 =	vmul.f32 v57, v23  }
0x7a: {  	v7 =	vadd.f32 v8, v7;
	v62 =	vmul.f32 v22, v56;
	v2 =	vmul.f32 v26, v2  }
0x7b: {  	v6 =	vadd.f32 v11, v6;
	v10 =	vadd.f32 v59, v60  }
0x7c: {  	v9 =	vadd.f32 v61, v9;
	v2 =	vadd.f32 v2, v62  }
0x7d: {  	v4 =	vadd.f32 v6, v4;
	v5 =	vadd.f32 v10, v5  }
0x7e: {  	v3 =	vadd.f32 v9, v3;
	v2 =	vadd.f32 v2, v7  }
0x7f: {  	v63 =	vld [tilespmem:s0+$0x10400]  }
0x80: {  	v4 =	vadd.f32 v5, v4;
	v2 =	vadd.f32 v2, v3  }
0x81: {  	v3 =	vld [tilespmem:s0+$0x10500]  }
0x82: {  	v2 =	vadd.f32 v2, v4;
	_ =	sdelay $0x1  }
0x83: {  	s12 =	sadd.s32 $0x1, s12;
	v2 =	vadd.f32 v63, v2  }
0x84: {  	p0 =	sne.s32 s12, $0x8  }
.Ltmp1:
0x85: {  	v2 =	vadd.f32 v3, v2;
	(pc) =	sbr.rel @p0 .LBB2_2-.Ltmp1, $3  }
0x86: {  	_ = 	snop  }
0x87: {  	v2 =	vadd.f32 v2, v1;
	_ =	sdelay $0x1  }
0x88: {  	[tilespmem:s0+$0x10600] =	vst v2  }
0x89: {  	[tilespmem:s16], [sflag:$0x1] =	stream.indirect.gather [hbm4b:s1+s15], $0x80, s26, s15, $0xb8;
	[tilespmem:$0x10880] =	vst v63  }
0x8a: {  	_ = 	snop  }
0x8b: {  	[tilespmem:s17], [sflag:$0x1] =	stream.indirect.gather [hbm4b:s2+s15], $0x80, s28, s15, $0xb8;
	[tilespmem:$0x10880] =	vst v63  }
0x8c: {  	s0 =	simm.s32 $0x10400  }
0x8d: {  	[tilespmem:s0], [sflag:$0x1] =	stream.indirect.gather [hbm4b:s3+s15], $0x1, s26, s15, $0xb8;
	[tilespmem:$0x10880] =	vst v63  }
0x8e: {  	s24 =	simm.s32 $0x10500  }
0x8f: {  	[tilespmem:s24], [sflag:$0x1] =	stream.indirect.gather [hbm4b:s6+s15], $0x1, s28, s15, $0xb8;
	[tilespmem:$0x10880] =	vst v63  }
0x90: {  	_ =	swait.ge [sflag:s29], $0x4000  }
0x91: {  	[sflag:s29] =	ssyncset.done $0x0  }
0x92: {  	[sflag:s29] =	ssyncadd.s32 $0xFFFFC000  }
0x93: {  	_ =	swait.ge [sflag:s29], $0x4000  }
0x94: {  	[sflag:s29] =	ssyncset.done $0x0  }
0x95: {  	[sflag:s29] =	ssyncadd.s32 $0xFFFFC000  }
0x96: {  	_ =	swait.ge [sflag:s29], $0x80  }
0x97: {  	[sflag:s29] =	ssyncset.done $0x0  }
0x98: {  	[sflag:s29] =	ssyncadd.s32 $0xFFFFFF80  }
0x99: {  	_ =	swait.ge [sflag:s29], $0x80  }
0x9a: {  	[sflag:s29] =	ssyncset.done $0x0  }
0x9b: {  	s12 =	simm.s32 $0x0;
	[sflag:s29] =	ssyncadd.s32 $0xFFFFFF80  }
.LBB2_6:
0x9c: {  	s0 =	sshll.u32 s12, $0x4;
	s7 =	simm.s32 $0x0  }
0x9d: {  	s18 =	simm.s32 $0x1;
	s19 =	simm.s32 $0x3;
	v2 =	vmov s0;
	v3 =	vmov s7  }
0x9e: {  	v4 =	vmov s18;
	v5 =	vmov s19;
	v3 =	vand.u32 $0x78, v3  }
0x9f: {  	v2 =	vshll.u32 v2, $0x7;
	v4 =	vand.u32 $0x79, v4;
	v3 =	vbroadcast v3, $0x0  }
0xa0: {  	v5 =	vand.u32 $0x7B, v5;
	v2 =	vor.u32 v0, v2;
	v4 =	vbroadcast v4, $0x0  }
0xa1: {  	v5 =	vbroadcast v5, $0x0;
	v6 =	vor.u32 v2, v3  }
0xa2: {  	s23 =	simm.s32 $0x2;
	v3 =	vor.u32 v2, v4  }
0xa3: {  	s24 =	simm.s32 $0x5;
	v7 =	vmov s23;
	v5 =	vor.u32 v2, v5  }
0xa4: {  	v8 =	vmov s24;
	v7 =	vand.u32 $0x7A, v7  }
0xa5: {  	v8 =	vand.u32 $0x7D, v8;
	v7 =	vbroadcast v7, $0x0  }
0xa6: {  	s18 =	simm.s32 $0x6;
	v8 =	vbroadcast v8, $0x0;
	v9 =	vld.idx.msk [tilespmem:v6+s22+$0x0], $0xffff  }
0xa7: {  	s21 =	simm.s32 $0x4;
	v10 =	vmov s18;
	v7 =	vor.u32 v2, v7;
	v11 =	vld.idx.msk [tilespmem:v3+s22+$0x0], $0xffff  }
0xa8: {  	s19 =	simm.s32 $0x7;
	v10 =	vand.u32 $0x7E, v10;
	v4 =	vmov s21;
	v8 =	vor.u32 v2, v8;
	v12 =	vld.idx.msk [tilespmem:v5+s20+$0x0], $0xffff  }
0xa9: {  	v13 =	vmov s19;
	v10 =	vbroadcast v10, $0x0;
	v4 =	vand.u32 $0x7C, v4;
	v5 =	vld.idx.msk [tilespmem:v5+s22+$0x0], $0xffff  }
0xaa: {  	v13 =	vand.u32 $0x7F, v13;
	v4 =	vbroadcast v4, $0x0;
	v14 =	vld.idx.msk [tilespmem:v3+s20+$0x0], $0xffff  }
0xab: {  	s23 =	simm.s32 $0x9;
	s24 =	simm.s32 $0xB;
	v13 =	vbroadcast v13, $0x0;
	v15 =	vor.u32 v2, v10;
	v6 =	vld.idx.msk [tilespmem:v6+s20+$0x0], $0xffff  }
0xac: {  	v16 =	vmov s23;
	v18 =	vmov s24;
	s21 =	simm.s32 $0x8;
	v4 =	vor.u32 v2, v4;
	v20 =	vld.idx.msk [tilespmem:v7+s20+$0x0], $0xffff  }
0xad: {  	s19 =	simm.s32 $0xC;
	v10 =	vmov s21;
	v21 =	vor.u32 v2, v13;
	v13 =	vand.u32 $0x79, v16;
	v22 =	vld.idx.msk [tilespmem:v8+s20+$0x0], $0xffff  }
0xae: {  	v19 =	vmov s19;
	s19 =	simm.s32 $0xE;
	v10 =	vand.u32 $0x78, v10;
	v13 =	vbroadcast v13, $0x0;
	v7 =	vld.idx.msk [tilespmem:v7+s22+$0x0], $0xffff  }
0xaf: {  	v16 =	vand.u32 $0x7B, v18;
	v18 =	vmov s19;
	v10 =	vbroadcast v10, $0x0;
	v23 =	vld.idx.msk [tilespmem:v8+s22+$0x0], $0xffff  }
0xb0: {  	v18 =	vand.u32 $0x7E, v18;
	v24 =	vor.u32 v2, v13;
	v13 =	vand.u32 $0x7C, v19;
	v8 =	vld.idx.msk [tilespmem:v15+s20+$0x0], $0xffff  }
0xb1: {  	s21 =	simm.s32 $0xA;
	v3 =	vimm.f32 $0.0e+00;
	v10 =	vor.u32 v2, v10;
	v17 =	vld.idx.msk [tilespmem:v4+s20+$0x0], $0xffff;
	v5 =	vmul.f32 v5, v12  }
0xb2: {  	v26 =	vld.idx.msk [tilespmem:v4+s22+$0x0], $0xffff;
	v4 =	vmov s21;
	v12 =	vbroadcast v16, $0x0;
	v11 =	vmul.f32 v11, v14  }
0xb3: {  	v6 =	vmul.f32 v9, v6;
	v4 =	vand.u32 $0x7A, v4;
	v9 =	vbroadcast v13, $0x0;
	v13 =	vld.idx.msk [tilespmem:v21+s22+$0x0], $0xffff  }
0xb4: {  	s23 =	simm.s32 $0xD;
	v7 =	vmul.f32 v7, v20;
	v16 =	vld.idx.msk [tilespmem:v21+s20+$0x0], $0xffff;
	v20 =	vmul.f32 v23, v22;
	v25 =	vor.u32 v2, v12  }
0xb5: {  	v14 =	vmov s23;
	v22 =	vbroadcast v18, $0x0;
	v18 =	vld.idx.msk [tilespmem:v24+s20+$0x0], $0xffff;
	v4 =	vbroadcast v4, $0x0  }
0xb6: {  	v14 =	vand.u32 $0x7D, v14;
	v12 =	vld.idx.msk [tilespmem:v15+s22+$0x0], $0xffff;
	v19 =	vadd.f32 v11, v6;
	v9 =	vor.u32 v2, v9  }
0xb7: {  	s24 =	simm.s32 $0xF;
	v6 =	vld.idx.msk [tilespmem:v10+s22+$0x0], $0xffff;
	v21 =	vbroadcast v14, $0x0;
	v5 =	vadd.f32 v5, v7;
	v15 =	vor.u32 v2, v4  }
0xb8: {  	v11 =	vld.idx.msk [tilespmem:v24+s22+$0x0], $0xffff;
	v4 =	vadd.f32 v19, v3;
	v19 =	vmov s24;
	v23 =	vmul.f32 v26, v17  }
0xb9: {  	v5 =	vadd.f32 v5, v3;
	v7 =	vand.u32 $0x7F, v19;
	v19 =	vor.u32 v2, v21;
	v14 =	vld.idx.msk [tilespmem:v25+s20+$0x0], $0xffff  }
0xba: {  	s18 =	simm.s32 $0x17;
	v21 =	vbroadcast v7, $0x0;
	v20 =	vadd.f32 v20, v23;
	v7 =	vimm.f32 $0.0e+00;
	v17 =	vld.idx.msk [tilespmem:v25+s22+$0x0], $0xffff  }
.LBB2_7:
0xbb: {  	s7 =	sadd.s32 $0xFFFFFFF9, s18  }
0xbc: {  	s21 =	sadd.s32 $0xFFFFFFFA, s18;
	s23 =	sadd.s32 $0xFFFFFFFB, s18;
	v23 =	vld.idx.msk [tilespmem:v10+s20+$0x0], $0xffff;
	v22 =	vor.u32 v2, v22;
	v12 =	vmul.f32 v12, v8;
	v13 =	vmul.f32 v13, v16;
	s19 =	smov.u32 s18  }
0xbd: {  	s24 =	sadd.s32 $0xFFFFFFFE, s18;
	v8 =	vmov s7;
	v10 =	vmov s21;
	s7 =	sadd.s32 $0xFFFFFFFC, s18;
	s21 =	sadd.s32 $0xFFFFFFFD, s18;
	v24 =	vld.idx.msk [tilespmem:v9+s20+$0x0], $0xffff;
	v3 =	vadd.f32 v20, v3  }
0xbe: {  	p0 =	sne.s32 s18, $0x7F;
	s18 =	sadd.s32 $0x8, s18;
	v21 =	vor.u32 v2, v21;
	v16 =	vmov s7;
	v20 =	vmov s21;
	s7 =	sadd.s32 $0xFFFFFFFF, s19;
	v25 =	vld.idx.msk [tilespmem:v15+s20+$0x0], $0xffff  }
0xbf: {  	v8 =	vand.u32 $0x78, v8;
	v10 =	vand.u32 $0x79, v10;
	v26 =	vmov s7;
	v27 =	vld.idx.msk [tilespmem:v19+s20+$0x0], $0xffff  }
0xc0: {  	v8 =	vbroadcast v8, $0x0;
	v16 =	vand.u32 $0x7B, v16;
	v17 =	vmul.f32 v17, v14;
	v15 =	vld.idx.msk [tilespmem:v15+s22+$0x0], $0xffff  }
0xc1: {  	v28 =	vmov s24;
	v14 =	vbroadcast v10, $0x0;
	v16 =	vbroadcast v16, $0x0;
	v19 =	vld.idx.msk [tilespmem:v19+s22+$0x0], $0xffff  }
0xc2: {  	v26 =	vand.u32 $0x7E, v26;
	v11 =	vmul.f32 v11, v18;
	v10 =	vor.u32 v2, v8;
	v8 =	vld.idx.msk [tilespmem:v22+s20+$0x0], $0xffff  }
0xc3: {  	v18 =	vor.u32 v2, v14;
	v29 =	vor.u32 v2, v16;
	v30 =	vld.idx.msk [tilespmem:v9+s22+$0x0], $0xffff;
	v9 =	vadd.f32 v13, v12  }
0xc4: {  	v14 =	vand.u32 $0x7C, v20;
	v6 =	vmul.f32 v6, v23;
	v13 =	vmov s23;
	v12 =	vld.idx.msk [tilespmem:v22+s22+$0x0], $0xffff  }
0xc5: {  	v14 =	vbroadcast v14, $0x0;
	v16 =	vand.u32 $0x7A, v13;
	v13 =	vld.idx.msk [tilespmem:v21+s22+$0x0], $0xffff;
	v7 =	vadd.f32 v9, v7  }
0xc6: {  	v20 =	vbroadcast v16, $0x0;
	v22 =	vmul.f32 v15, v25;
	v16 =	vld.idx.msk [tilespmem:v21+s20+$0x0], $0xffff;
	v21 =	vadd.f32 v11, v6  }
.Ltmp2:
0xc7: {  	v9 =	vor.u32 v2, v14;
	v14 =	vand.u32 $0x7D, v28;
	v23 =	vmul.f32 v19, v27;
	v6 =	vld.idx.msk [tilespmem:v10+s22+$0x0], $0xffff;
	(pc) =	sbr.rel @p0 .LBB2_7-.Ltmp2, $4  }
0xc8: {  	v19 =	vbroadcast v14, $0x0;
	v15 =	vor.u32 v2, v20;
	v11 =	vld.idx.msk [tilespmem:v18+s22+$0x0], $0xffff;
	v4 =	vadd.f32 v21, v4  }
0xc9: {  	v20 =	vmov s19;
	v25 =	vadd.f32 v17, v22;
	v24 =	vmul.f32 v30, v24;
	v14 =	vld.idx.msk [tilespmem:v29+s20+$0x0], $0xffff  }
0xca: {  	v22 =	vbroadcast v26, $0x0;
	v19 =	vor.u32 v2, v19;
	v20 =	vand.u32 $0x7F, v20;
	v17 =	vld.idx.msk [tilespmem:v29+s22+$0x0], $0xffff  }
0xcb: {  	v21 =	vbroadcast v20, $0x0;
	v5 =	vadd.f32 v25, v5;
	v20 =	vadd.f32 v23, v24;
	v18 =	vld.idx.msk [tilespmem:v18+s20+$0x0], $0xffff  }
0xcc: {  	_ =	sdelay $0x3  }
0xcd: {  	v10 =	vld.idx.msk [tilespmem:v10+s20+$0x0], $0xffff  }
0xce: {  	v23 =	vld.idx.msk [tilespmem:v9+s20+$0x0], $0xffff  }
0xcf: {  	v22 =	vor.u32 v2, v22;
	v24 =	vld.idx.msk [tilespmem:v15+s20+$0x0], $0xffff  }
0xd0: {  	v25 =	vld.idx.msk [tilespmem:v19+s20+$0x0], $0xffff  }
0xd1: {  	v54 =	vld.idx.msk [tilespmem:v15+s22+$0x0], $0xffff;
	v2 =	vor.u32 v2, v21  }
0xd2: {  	v55 =	vld.idx.msk [tilespmem:v19+s22+$0x0], $0xffff  }
0xd3: {  	v57 =	vld.idx.msk [tilespmem:v9+s22+$0x0], $0xffff  }
0xd4: {  	v56 =	vld.idx.msk [tilespmem:v22+s20+$0x0], $0xffff  }
0xd5: {  	v22 =	vld.idx.msk [tilespmem:v22+s22+$0x0], $0xffff  }
0xd6: {  	v26 =	vld.idx.msk [tilespmem:v2+s22+$0x0], $0xffff  }
0xd7: {  	v2 =	vld.idx.msk [tilespmem:v2+s20+$0x0], $0xffff  }
0xd8: {  	v8 =	vmul.f32 v12, v8;
	v58 =	vmul.f32 v13, v16  }
0xd9: {  	v59 =	vmul.f32 v17, v14;
	v11 =	vmul.f32 v11, v18  }
0xda: {  	v8 =	vadd.f32 v58, v8;
	v6 =	vmul.f32 v6, v10;
	v60 =	vmul.f32 v54, v24  }
0xdb: {  	v3 =	vadd.f32 v20, v3;
	v61 =	vmul.f32 v55, v25;
	v9 =	vmul.f32 v57, v23  }
0xdc: {  	v7 =	vadd.f32 v8, v7;
	v62 =	vmul.f32 v22, v56;
	v2 =	vmul.f32 v26, v2  }
0xdd: {  	v6 =	vadd.f32 v11, v6;
	v10 =	vadd.f32 v59, v60  }
0xde: {  	v9 =	vadd.f32 v61, v9;
	v2 =	vadd.f32 v2, v62  }
0xdf: {  	v4 =	vadd.f32 v6, v4;
	v5 =	vadd.f32 v10, v5  }
0xe0: {  	v3 =	vadd.f32 v9, v3;
	v2 =	vadd.f32 v2, v7  }
0xe1: {  	v63 =	vld [tilespmem:s0+$0x10480]  }
0xe2: {  	v4 =	vadd.f32 v5, v4;
	v2 =	vadd.f32 v2, v3  }
0xe3: {  	v3 =	vld [tilespmem:s0+$0x10580]  }
0xe4: {  	v2 =	vadd.f32 v2, v4;
	_ =	sdelay $0x1  }
0xe5: {  	s12 =	sadd.s32 $0x1, s12;
	v2 =	vadd.f32 v63, v2  }
0xe6: {  	p0 =	sne.s32 s12, $0x8  }
.Ltmp3:
0xe7: {  	v2 =	vadd.f32 v3, v2;
	(pc) =	sbr.rel @p0 .LBB2_6-.Ltmp3, $3  }
0xe8: {  	_ = 	snop  }
0xe9: {  	v2 =	vadd.f32 v2, v1;
	_ =	sdelay $0x1  }
0xea: {  	[tilespmem:s0+$0x10680] =	vst v2  }
0xeb: {  	[tilespmem:s20], [sflag:$0x2] =	stream.indirect.gather [hbm4b:s1+s15], $0x80, s30, s15, $0xb8;
	[tilespmem:$0x10880] =	vst v63  }
0xec: {  	_ = 	snop  }
0xed: {  	[tilespmem:s22], [sflag:$0x2] =	stream.indirect.gather [hbm4b:s2+s15], $0x80, s31, s15, $0xb8;
	[tilespmem:$0x10880] =	vst v63  }
0xee: {  	s0 =	simm.s32 $0x10480  }
0xef: {  	[tilespmem:s0], [sflag:$0x2] =	stream.indirect.gather [hbm4b:s3+s15], $0x1, s30, s15, $0xb8;
	[tilespmem:$0x10880] =	vst v63  }
0xf0: {  	s24 =	simm.s32 $0x10580  }
0xf1: {  	[tilespmem:s24], [sflag:$0x2] =	stream.indirect.gather [hbm4b:s6+s15], $0x1, s31, s15, $0xb8;
	[tilespmem:$0x10880] =	vst v63  }
0xf2: {  	_ =	swait.ge [sflag:s25], $0x4000  }
0xf3: {  	[sflag:s25] =	ssyncset.done $0x0  }
0xf4: {  	[sflag:s25] =	ssyncadd.s32 $0xFFFFC000  }
0xf5: {  	_ =	swait.ge [sflag:s25], $0x4000  }
0xf6: {  	[sflag:s25] =	ssyncset.done $0x0  }
0xf7: {  	[sflag:s25] =	ssyncadd.s32 $0xFFFFC000  }
0xf8: {  	_ =	swait.ge [sflag:s25], $0x80  }
0xf9: {  	[sflag:s25] =	ssyncset.done $0x0  }
0xfa: {  	[sflag:s25] =	ssyncadd.s32 $0xFFFFFF80  }
0xfb: {  	_ =	swait.ge [sflag:s25], $0x80  }
0xfc: {  	[sflag:s25] =	ssyncset.done $0x0  }
0xfd: {  	s12 =	simm.s32 $0x0;
	[sflag:s25] =	ssyncadd.s32 $0xFFFFFF80  }
.LBB2_10:
0xfe: {  	s0 =	sshll.u32 s12, $0x4;
	s7 =	simm.s32 $0x0  }
0xff: {  	s18 =	simm.s32 $0x1;
	s19 =	simm.s32 $0x3;
	v2 =	vmov s0;
	v3 =	vmov s7  }
0x100: {  	v4 =	vmov s18;
	v5 =	vmov s19;
	v3 =	vand.u32 $0x78, v3  }
0x101: {  	v2 =	vshll.u32 v2, $0x7;
	v4 =	vand.u32 $0x79, v4;
	v3 =	vbroadcast v3, $0x0  }
0x102: {  	v5 =	vand.u32 $0x7B, v5;
	v2 =	vor.u32 v0, v2;
	v4 =	vbroadcast v4, $0x0  }
0x103: {  	v5 =	vbroadcast v5, $0x0;
	v6 =	vor.u32 v2, v3  }
0x104: {  	s23 =	simm.s32 $0x2;
	v3 =	vor.u32 v2, v4  }
0x105: {  	s24 =	simm.s32 $0x5;
	v7 =	vmov s23;
	v5 =	vor.u32 v2, v5  }
0x106: {  	v8 =	vmov s24;
	v7 =	vand.u32 $0x7A, v7  }
0x107: {  	v8 =	vand.u32 $0x7D, v8;
	v7 =	vbroadcast v7, $0x0  }
0x108: {  	s18 =	simm.s32 $0x6;
	v8 =	vbroadcast v8, $0x0;
	v9 =	vld.idx.msk [tilespmem:v6+s17+$0x0], $0xffff  }
0x109: {  	s21 =	simm.s32 $0x4;
	v10 =	vmov s18;
	v7 =	vor.u32 v2, v7;
	v11 =	vld.idx.msk [tilespmem:v3+s17+$0x0], $0xffff  }
0x10a: {  	s19 =	simm.s32 $0x7;
	v10 =	vand.u32 $0x7E, v10;
	v4 =	vmov s21;
	v8 =	vor.u32 v2, v8;
	v12 =	vld.idx.msk [tilespmem:v5+s16+$0x0], $0xffff  }
0x10b: {  	v13 =	vmov s19;
	v10 =	vbroadcast v10, $0x0;
	v4 =	vand.u32 $0x7C, v4;
	v5 =	vld.idx.msk [tilespmem:v5+s17+$0x0], $0xffff  }
0x10c: {  	v13 =	vand.u32 $0x7F, v13;
	v4 =	vbroadcast v4, $0x0;
	v14 =	vld.idx.msk [tilespmem:v3+s16+$0x0], $0xffff  }
0x10d: {  	s23 =	simm.s32 $0x9;
	s24 =	simm.s32 $0xB;
	v13 =	vbroadcast v13, $0x0;
	v15 =	vor.u32 v2, v10;
	v6 =	vld.idx.msk [tilespmem:v6+s16+$0x0], $0xffff  }
0x10e: {  	v16 =	vmov s23;
	v18 =	vmov s24;
	s21 =	simm.s32 $0x8;
	v4 =	vor.u32 v2, v4;
	v20 =	vld.idx.msk [tilespmem:v7+s16+$0x0], $0xffff  }
0x10f: {  	s19 =	simm.s32 $0xC;
	v10 =	vmov s21;
	v21 =	vor.u32 v2, v13;
	v13 =	vand.u32 $0x79, v16;
	v22 =	vld.idx.msk [tilespmem:v8+s16+$0x0], $0xffff  }
0x110: {  	v19 =	vmov s19;
	s19 =	simm.s32 $0xE;
	v10 =	vand.u32 $0x78, v10;
	v13 =	vbroadcast v13, $0x0;
	v7 =	vld.idx.msk [tilespmem:v7+s17+$0x0], $0xffff  }
0x111: {  	v16 =	vand.u32 $0x7B, v18;
	v18 =	vmov s19;
	v10 =	vbroadcast v10, $0x0;
	v23 =	vld.idx.msk [tilespmem:v8+s17+$0x0], $0xffff  }
0x112: {  	v18 =	vand.u32 $0x7E, v18;
	v24 =	vor.u32 v2, v13;
	v13 =	vand.u32 $0x7C, v19;
	v8 =	vld.idx.msk [tilespmem:v15+s16+$0x0], $0xffff  }
0x113: {  	s21 =	simm.s32 $0xA;
	v3 =	vimm.f32 $0.0e+00;
	v10 =	vor.u32 v2, v10;
	v17 =	vld.idx.msk [tilespmem:v4+s16+$0x0], $0xffff;
	v5 =	vmul.f32 v5, v12  }
0x114: {  	v26 =	vld.idx.msk [tilespmem:v4+s17+$0x0], $0xffff;
	v4 =	vmov s21;
	v12 =	vbroadcast v16, $0x0;
	v11 =	vmul.f32 v11, v14  }
0x115: {  	v6 =	vmul.f32 v9, v6;
	v4 =	vand.u32 $0x7A, v4;
	v9 =	vbroadcast v13, $0x0;
	v13 =	vld.idx.msk [tilespmem:v21+s17+$0x0], $0xffff  }
0x116: {  	s23 =	simm.s32 $0xD;
	v7 =	vmul.f32 v7, v20;
	v16 =	vld.idx.msk [tilespmem:v21+s16+$0x0], $0xffff;
	v20 =	vmul.f32 v23, v22;
	v25 =	vor.u32 v2, v12  }
0x117: {  	v14 =	vmov s23;
	v22 =	vbroadcast v18, $0x0;
	v18 =	vld.idx.msk [tilespmem:v24+s16+$0x0], $0xffff;
	v4 =	vbroadcast v4, $0x0  }
0x118: {  	v14 =	vand.u32 $0x7D, v14;
	v12 =	vld.idx.msk [tilespmem:v15+s17+$0x0], $0xffff;
	v19 =	vadd.f32 v11, v6;
	v9 =	vor.u32 v2, v9  }
0x119: {  	s24 =	simm.s32 $0xF;
	v6 =	vld.idx.msk [tilespmem:v10+s17+$0x0], $0xffff;
	v21 =	vbroadcast v14, $0x0;
	v5 =	vadd.f32 v5, v7;
	v15 =	vor.u32 v2, v4  }
0x11a: {  	v11 =	vld.idx.msk [tilespmem:v24+s17+$0x0], $0xffff;
	v4 =	vadd.f32 v19, v3;
	v19 =	vmov s24;
	v23 =	vmul.f32 v26, v17  }
0x11b: {  	v5 =	vadd.f32 v5, v3;
	v7 =	vand.u32 $0x7F, v19;
	v19 =	vor.u32 v2, v21;
	v14 =	vld.idx.msk [tilespmem:v25+s16+$0x0], $0xffff  }
0x11c: {  	s18 =	simm.s32 $0x17;
	v21 =	vbroadcast v7, $0x0;
	v20 =	vadd.f32 v20, v23;
	v7 =	vimm.f32 $0.0e+00;
	v17 =	vld.idx.msk [tilespmem:v25+s17+$0x0], $0xffff  }
.LBB2_11:
0x11d: {  	s7 =	sadd.s32 $0xFFFFFFF9, s18  }
0x11e: {  	s21 =	sadd.s32 $0xFFFFFFFA, s18;
	s23 =	sadd.s32 $0xFFFFFFFB, s18;
	v23 =	vld.idx.msk [tilespmem:v10+s16+$0x0], $0xffff;
	v22 =	vor.u32 v2, v22;
	v12 =	vmul.f32 v12, v8;
	v13 =	vmul.f32 v13, v16;
	s19 =	smov.u32 s18  }
0x11f: {  	s24 =	sadd.s32 $0xFFFFFFFE, s18;
	v8 =	vmov s7;
	v10 =	vmov s21;
	s7 =	sadd.s32 $0xFFFFFFFC, s18;
	s21 =	sadd.s32 $0xFFFFFFFD, s18;
	v24 =	vld.idx.msk [tilespmem:v9+s16+$0x0], $0xffff;
	v3 =	vadd.f32 v20, v3  }
0x120: {  	p0 =	sne.s32 s18, $0x7F;
	s18 =	sadd.s32 $0x8, s18;
	v21 =	vor.u32 v2, v21;
	v16 =	vmov s7;
	v20 =	vmov s21;
	s7 =	sadd.s32 $0xFFFFFFFF, s19;
	v25 =	vld.idx.msk [tilespmem:v15+s16+$0x0], $0xffff  }
0x121: {  	v8 =	vand.u32 $0x78, v8;
	v10 =	vand.u32 $0x79, v10;
	v26 =	vmov s7;
	v27 =	vld.idx.msk [tilespmem:v19+s16+$0x0], $0xffff  }
0x122: {  	v8 =	vbroadcast v8, $0x0;
	v16 =	vand.u32 $0x7B, v16;
	v17 =	vmul.f32 v17, v14;
	v15 =	vld.idx.msk [tilespmem:v15+s17+$0x0], $0xffff  }
0x123: {  	v28 =	vmov s24;
	v14 =	vbroadcast v10, $0x0;
	v16 =	vbroadcast v16, $0x0;
	v19 =	vld.idx.msk [tilespmem:v19+s17+$0x0], $0xffff  }
0x124: {  	v26 =	vand.u32 $0x7E, v26;
	v11 =	vmul.f32 v11, v18;
	v10 =	vor.u32 v2, v8;
	v8 =	vld.idx.msk [tilespmem:v22+s16+$0x0], $0xffff  }
0x125: {  	v18 =	vor.u32 v2, v14;
	v29 =	vor.u32 v2, v16;
	v30 =	vld.idx.msk [tilespmem:v9+s17+$0x0], $0xffff;
	v9 =	vadd.f32 v13, v12  }
0x126: {  	v14 =	vand.u32 $0x7C, v20;
	v6 =	vmul.f32 v6, v23;
	v13 =	vmov s23;
	v12 =	vld.idx.msk [tilespmem:v22+s17+$0x0], $0xffff  }
0x127: {  	v14 =	vbroadcast v14, $0x0;
	v16 =	vand.u32 $0x7A, v13;
	v13 =	vld.idx.msk [tilespmem:v21+s17+$0x0], $0xffff;
	v7 =	vadd.f32 v9, v7  }
0x128: {  	v20 =	vbroadcast v16, $0x0;
	v22 =	vmul.f32 v15, v25;
	v16 =	vld.idx.msk [tilespmem:v21+s16+$0x0], $0xffff;
	v21 =	vadd.f32 v11, v6  }
.Ltmp4:
0x129: {  	v9 =	vor.u32 v2, v14;
	v14 =	vand.u32 $0x7D, v28;
	v23 =	vmul.f32 v19, v27;
	v6 =	vld.idx.msk [tilespmem:v10+s17+$0x0], $0xffff;
	(pc) =	sbr.rel @p0 .LBB2_11-.Ltmp4, $4  }
0x12a: {  	v19 =	vbroadcast v14, $0x0;
	v15 =	vor.u32 v2, v20;
	v11 =	vld.idx.msk [tilespmem:v18+s17+$0x0], $0xffff;
	v4 =	vadd.f32 v21, v4  }
0x12b: {  	v20 =	vmov s19;
	v25 =	vadd.f32 v17, v22;
	v24 =	vmul.f32 v30, v24;
	v14 =	vld.idx.msk [tilespmem:v29+s16+$0x0], $0xffff  }
0x12c: {  	v22 =	vbroadcast v26, $0x0;
	v19 =	vor.u32 v2, v19;
	v20 =	vand.u32 $0x7F, v20;
	v17 =	vld.idx.msk [tilespmem:v29+s17+$0x0], $0xffff  }
0x12d: {  	v21 =	vbroadcast v20, $0x0;
	v5 =	vadd.f32 v25, v5;
	v20 =	vadd.f32 v23, v24;
	v18 =	vld.idx.msk [tilespmem:v18+s16+$0x0], $0xffff  }
0x12e: {  	_ =	sdelay $0x3  }
0x12f: {  	v10 =	vld.idx.msk [tilespmem:v10+s16+$0x0], $0xffff  }
0x130: {  	v23 =	vld.idx.msk [tilespmem:v9+s16+$0x0], $0xffff  }
0x131: {  	v22 =	vor.u32 v2, v22;
	v24 =	vld.idx.msk [tilespmem:v15+s16+$0x0], $0xffff  }
0x132: {  	v25 =	vld.idx.msk [tilespmem:v19+s16+$0x0], $0xffff  }
0x133: {  	v54 =	vld.idx.msk [tilespmem:v15+s17+$0x0], $0xffff;
	v2 =	vor.u32 v2, v21  }
0x134: {  	v55 =	vld.idx.msk [tilespmem:v19+s17+$0x0], $0xffff  }
0x135: {  	v57 =	vld.idx.msk [tilespmem:v9+s17+$0x0], $0xffff  }
0x136: {  	v56 =	vld.idx.msk [tilespmem:v22+s16+$0x0], $0xffff  }
0x137: {  	v22 =	vld.idx.msk [tilespmem:v22+s17+$0x0], $0xffff  }
0x138: {  	v26 =	vld.idx.msk [tilespmem:v2+s17+$0x0], $0xffff  }
0x139: {  	v2 =	vld.idx.msk [tilespmem:v2+s16+$0x0], $0xffff  }
0x13a: {  	v8 =	vmul.f32 v12, v8;
	v58 =	vmul.f32 v13, v16  }
0x13b: {  	v59 =	vmul.f32 v17, v14;
	v11 =	vmul.f32 v11, v18  }
0x13c: {  	v8 =	vadd.f32 v58, v8;
	v6 =	vmul.f32 v6, v10;
	v60 =	vmul.f32 v54, v24  }
0x13d: {  	v3 =	vadd.f32 v20, v3;
	v61 =	vmul.f32 v55, v25;
	v9 =	vmul.f32 v57, v23  }
0x13e: {  	v7 =	vadd.f32 v8, v7;
	v62 =	vmul.f32 v22, v56;
	v2 =	vmul.f32 v26, v2  }
0x13f: {  	v6 =	vadd.f32 v11, v6;
	v10 =	vadd.f32 v59, v60  }
0x140: {  	v9 =	vadd.f32 v61, v9;
	v2 =	vadd.f32 v2, v62  }
0x141: {  	v4 =	vadd.f32 v6, v4;
	v5 =	vadd.f32 v10, v5  }
0x142: {  	v3 =	vadd.f32 v9, v3;
	v2 =	vadd.f32 v2, v7  }
0x143: {  	v63 =	vld [tilespmem:s0+$0x10400]  }
0x144: {  	v4 =	vadd.f32 v5, v4;
	v2 =	vadd.f32 v2, v3  }
0x145: {  	v3 =	vld [tilespmem:s0+$0x10500]  }
0x146: {  	v2 =	vadd.f32 v2, v4;
	_ =	sdelay $0x1  }
0x147: {  	s12 =	sadd.s32 $0x1, s12;
	v2 =	vadd.f32 v63, v2  }
0x148: {  	p0 =	sne.s32 s12, $0x8  }
.Ltmp5:
0x149: {  	v2 =	vadd.f32 v3, v2;
	(pc) =	sbr.rel @p0 .LBB2_10-.Ltmp5, $3  }
0x14a: {  	_ = 	snop  }
0x14b: {  	v2 =	vadd.f32 v2, v1;
	_ =	sdelay $0x1  }
0x14c: {  	[tilespmem:s0+$0x10700] =	vst v2  }
0x14d: {  	_ =	swait.ge [sflag:s29], $0x4000  }
0x14e: {  	[sflag:s29] =	ssyncset.done $0x0  }
0x14f: {  	[sflag:s29] =	ssyncadd.s32 $0xFFFFC000  }
0x150: {  	_ =	swait.ge [sflag:s29], $0x4000  }
0x151: {  	[sflag:s29] =	ssyncset.done $0x0  }
0x152: {  	[sflag:s29] =	ssyncadd.s32 $0xFFFFC000  }
0x153: {  	_ =	swait.ge [sflag:s29], $0x80  }
0x154: {  	[sflag:s29] =	ssyncset.done $0x0  }
0x155: {  	[sflag:s29] =	ssyncadd.s32 $0xFFFFFF80  }
0x156: {  	_ =	swait.ge [sflag:s29], $0x80  }
0x157: {  	[sflag:s29] =	ssyncset.done $0x0  }
0x158: {  	s12 =	simm.s32 $0x0;
	[sflag:s29] =	ssyncadd.s32 $0xFFFFFF80  }
.LBB2_14:
0x159: {  	s0 =	sshll.u32 s12, $0x4;
	s7 =	simm.s32 $0x0  }
0x15a: {  	s18 =	simm.s32 $0x1;
	s19 =	simm.s32 $0x3;
	v2 =	vmov s0;
	v3 =	vmov s7  }
0x15b: {  	v4 =	vmov s18;
	v5 =	vmov s19;
	v3 =	vand.u32 $0x78, v3  }
0x15c: {  	v2 =	vshll.u32 v2, $0x7;
	v4 =	vand.u32 $0x79, v4;
	v3 =	vbroadcast v3, $0x0  }
0x15d: {  	v5 =	vand.u32 $0x7B, v5;
	v2 =	vor.u32 v0, v2;
	v4 =	vbroadcast v4, $0x0  }
0x15e: {  	v5 =	vbroadcast v5, $0x0;
	v6 =	vor.u32 v2, v3  }
0x15f: {  	s23 =	simm.s32 $0x2;
	v3 =	vor.u32 v2, v4  }
0x160: {  	s24 =	simm.s32 $0x5;
	v7 =	vmov s23;
	v5 =	vor.u32 v2, v5  }
0x161: {  	v8 =	vmov s24;
	v7 =	vand.u32 $0x7A, v7  }
0x162: {  	v8 =	vand.u32 $0x7D, v8;
	v7 =	vbroadcast v7, $0x0  }
0x163: {  	s18 =	simm.s32 $0x6;
	v8 =	vbroadcast v8, $0x0;
	v9 =	vld.idx.msk [tilespmem:v6+s22+$0x0], $0xffff  }
0x164: {  	s21 =	simm.s32 $0x4;
	v10 =	vmov s18;
	v7 =	vor.u32 v2, v7;
	v11 =	vld.idx.msk [tilespmem:v3+s22+$0x0], $0xffff  }
0x165: {  	s19 =	simm.s32 $0x7;
	v10 =	vand.u32 $0x7E, v10;
	v4 =	vmov s21;
	v8 =	vor.u32 v2, v8;
	v12 =	vld.idx.msk [tilespmem:v5+s20+$0x0], $0xffff  }
0x166: {  	v13 =	vmov s19;
	v10 =	vbroadcast v10, $0x0;
	v4 =	vand.u32 $0x7C, v4;
	v5 =	vld.idx.msk [tilespmem:v5+s22+$0x0], $0xffff  }
0x167: {  	v13 =	vand.u32 $0x7F, v13;
	v4 =	vbroadcast v4, $0x0;
	v14 =	vld.idx.msk [tilespmem:v3+s20+$0x0], $0xffff  }
0x168: {  	s23 =	simm.s32 $0x9;
	s24 =	simm.s32 $0xB;
	v13 =	vbroadcast v13, $0x0;
	v15 =	vor.u32 v2, v10;
	v6 =	vld.idx.msk [tilespmem:v6+s20+$0x0], $0xffff  }
0x169: {  	v16 =	vmov s23;
	v18 =	vmov s24;
	s21 =	simm.s32 $0x8;
	v4 =	vor.u32 v2, v4;
	v20 =	vld.idx.msk [tilespmem:v7+s20+$0x0], $0xffff  }
0x16a: {  	s19 =	simm.s32 $0xC;
	v10 =	vmov s21;
	v21 =	vor.u32 v2, v13;
	v13 =	vand.u32 $0x79, v16;
	v22 =	vld.idx.msk [tilespmem:v8+s20+$0x0], $0xffff  }
0x16b: {  	v19 =	vmov s19;
	s19 =	simm.s32 $0xE;
	v10 =	vand.u32 $0x78, v10;
	v13 =	vbroadcast v13, $0x0;
	v7 =	vld.idx.msk [tilespmem:v7+s22+$0x0], $0xffff  }
0x16c: {  	v16 =	vand.u32 $0x7B, v18;
	v18 =	vmov s19;
	v10 =	vbroadcast v10, $0x0;
	v23 =	vld.idx.msk [tilespmem:v8+s22+$0x0], $0xffff  }
0x16d: {  	v18 =	vand.u32 $0x7E, v18;
	v24 =	vor.u32 v2, v13;
	v13 =	vand.u32 $0x7C, v19;
	v8 =	vld.idx.msk [tilespmem:v15+s20+$0x0], $0xffff  }
0x16e: {  	s21 =	simm.s32 $0xA;
	v3 =	vimm.f32 $0.0e+00;
	v10 =	vor.u32 v2, v10;
	v17 =	vld.idx.msk [tilespmem:v4+s20+$0x0], $0xffff;
	v5 =	vmul.f32 v5, v12  }
0x16f: {  	v26 =	vld.idx.msk [tilespmem:v4+s22+$0x0], $0xffff;
	v4 =	vmov s21;
	v12 =	vbroadcast v16, $0x0;
	v11 =	vmul.f32 v11, v14  }
0x170: {  	v6 =	vmul.f32 v9, v6;
	v4 =	vand.u32 $0x7A, v4;
	v9 =	vbroadcast v13, $0x0;
	v13 =	vld.idx.msk [tilespmem:v21+s22+$0x0], $0xffff  }
0x171: {  	s23 =	simm.s32 $0xD;
	v7 =	vmul.f32 v7, v20;
	v16 =	vld.idx.msk [tilespmem:v21+s20+$0x0], $0xffff;
	v20 =	vmul.f32 v23, v22;
	v25 =	vor.u32 v2, v12  }
0x172: {  	v14 =	vmov s23;
	v22 =	vbroadcast v18, $0x0;
	v18 =	vld.idx.msk [tilespmem:v24+s20+$0x0], $0xffff;
	v4 =	vbroadcast v4, $0x0  }
0x173: {  	v14 =	vand.u32 $0x7D, v14;
	v12 =	vld.idx.msk [tilespmem:v15+s22+$0x0], $0xffff;
	v19 =	vadd.f32 v11, v6;
	v9 =	vor.u32 v2, v9  }
0x174: {  	s24 =	simm.s32 $0xF;
	v6 =	vld.idx.msk [tilespmem:v10+s22+$0x0], $0xffff;
	v21 =	vbroadcast v14, $0x0;
	v5 =	vadd.f32 v5, v7;
	v15 =	vor.u32 v2, v4  }
0x175: {  	v11 =	vld.idx.msk [tilespmem:v24+s22+$0x0], $0xffff;
	v4 =	vadd.f32 v19, v3;
	v19 =	vmov s24;
	v23 =	vmul.f32 v26, v17  }
0x176: {  	v5 =	vadd.f32 v5, v3;
	v7 =	vand.u32 $0x7F, v19;
	v19 =	vor.u32 v2, v21;
	v14 =	vld.idx.msk [tilespmem:v25+s20+$0x0], $0xffff  }
0x177: {  	s18 =	simm.s32 $0x17;
	v21 =	vbroadcast v7, $0x0;
	v20 =	vadd.f32 v20, v23;
	v7 =	vimm.f32 $0.0e+00;
	v17 =	vld.idx.msk [tilespmem:v25+s22+$0x0], $0xffff  }
.LBB2_15:
0x178: {  	s7 =	sadd.s32 $0xFFFFFFF9, s18  }
0x179: {  	s21 =	sadd.s32 $0xFFFFFFFA, s18;
	s23 =	sadd.s32 $0xFFFFFFFB, s18;
	v23 =	vld.idx.msk [tilespmem:v10+s20+$0x0], $0xffff;
	v22 =	vor.u32 v2, v22;
	v12 =	vmul.f32 v12, v8;
	v13 =	vmul.f32 v13, v16;
	s19 =	smov.u32 s18  }
0x17a: {  	s24 =	sadd.s32 $0xFFFFFFFE, s18;
	v8 =	vmov s7;
	v10 =	vmov s21;
	s7 =	sadd.s32 $0xFFFFFFFC, s18;
	s21 =	sadd.s32 $0xFFFFFFFD, s18;
	v24 =	vld.idx.msk [tilespmem:v9+s20+$0x0], $0xffff;
	v3 =	vadd.f32 v20, v3  }
0x17b: {  	p0 =	sne.s32 s18, $0x7F;
	s18 =	sadd.s32 $0x8, s18;
	v21 =	vor.u32 v2, v21;
	v16 =	vmov s7;
	v20 =	vmov s21;
	s7 =	sadd.s32 $0xFFFFFFFF, s19;
	v25 =	vld.idx.msk [tilespmem:v15+s20+$0x0], $0xffff  }
0x17c: {  	v8 =	vand.u32 $0x78, v8;
	v10 =	vand.u32 $0x79, v10;
	v26 =	vmov s7;
	v27 =	vld.idx.msk [tilespmem:v19+s20+$0x0], $0xffff  }
0x17d: {  	v8 =	vbroadcast v8, $0x0;
	v16 =	vand.u32 $0x7B, v16;
	v17 =	vmul.f32 v17, v14;
	v15 =	vld.idx.msk [tilespmem:v15+s22+$0x0], $0xffff  }
0x17e: {  	v28 =	vmov s24;
	v14 =	vbroadcast v10, $0x0;
	v16 =	vbroadcast v16, $0x0;
	v19 =	vld.idx.msk [tilespmem:v19+s22+$0x0], $0xffff  }
0x17f: {  	v26 =	vand.u32 $0x7E, v26;
	v11 =	vmul.f32 v11, v18;
	v10 =	vor.u32 v2, v8;
	v8 =	vld.idx.msk [tilespmem:v22+s20+$0x0], $0xffff  }
0x180: {  	v18 =	vor.u32 v2, v14;
	v29 =	vor.u32 v2, v16;
	v30 =	vld.idx.msk [tilespmem:v9+s22+$0x0], $0xffff;
	v9 =	vadd.f32 v13, v12  }
0x181: {  	v14 =	vand.u32 $0x7C, v20;
	v6 =	vmul.f32 v6, v23;
	v13 =	vmov s23;
	v12 =	vld.idx.msk [tilespmem:v22+s22+$0x0], $0xffff  }
0x182: {  	v14 =	vbroadcast v14, $0x0;
	v16 =	vand.u32 $0x7A, v13;
	v13 =	vld.idx.msk [tilespmem:v21+s22+$0x0], $0xffff;
	v7 =	vadd.f32 v9, v7  }
0x183: {  	v20 =	vbroadcast v16, $0x0;
	v22 =	vmul.f32 v15, v25;
	v16 =	vld.idx.msk [tilespmem:v21+s20+$0x0], $0xffff;
	v21 =	vadd.f32 v11, v6  }
.Ltmp6:
0x184: {  	v9 =	vor.u32 v2, v14;
	v14 =	vand.u32 $0x7D, v28;
	v23 =	vmul.f32 v19, v27;
	v6 =	vld.idx.msk [tilespmem:v10+s22+$0x0], $0xffff;
	(pc) =	sbr.rel @p0 .LBB2_15-.Ltmp6, $4  }
0x185: {  	v19 =	vbroadcast v14, $0x0;
	v15 =	vor.u32 v2, v20;
	v11 =	vld.idx.msk [tilespmem:v18+s22+$0x0], $0xffff;
	v4 =	vadd.f32 v21, v4  }
0x186: {  	v20 =	vmov s19;
	v25 =	vadd.f32 v17, v22;
	v24 =	vmul.f32 v30, v24;
	v14 =	vld.idx.msk [tilespmem:v29+s20+$0x0], $0xffff  }
0x187: {  	v22 =	vbroadcast v26, $0x0;
	v19 =	vor.u32 v2, v19;
	v20 =	vand.u32 $0x7F, v20;
	v17 =	vld.idx.msk [tilespmem:v29+s22+$0x0], $0xffff  }
0x188: {  	v21 =	vbroadcast v20, $0x0;
	v5 =	vadd.f32 v25, v5;
	v20 =	vadd.f32 v23, v24;
	v18 =	vld.idx.msk [tilespmem:v18+s20+$0x0], $0xffff  }
0x189: {  	_ =	sdelay $0x3  }
0x18a: {  	v10 =	vld.idx.msk [tilespmem:v10+s20+$0x0], $0xffff  }
0x18b: {  	v23 =	vld.idx.msk [tilespmem:v9+s20+$0x0], $0xffff  }
0x18c: {  	v22 =	vor.u32 v2, v22;
	v24 =	vld.idx.msk [tilespmem:v15+s20+$0x0], $0xffff  }
0x18d: {  	v25 =	vld.idx.msk [tilespmem:v19+s20+$0x0], $0xffff  }
0x18e: {  	v54 =	vld.idx.msk [tilespmem:v15+s22+$0x0], $0xffff;
	v2 =	vor.u32 v2, v21  }
0x18f: {  	v55 =	vld.idx.msk [tilespmem:v19+s22+$0x0], $0xffff  }
0x190: {  	v57 =	vld.idx.msk [tilespmem:v9+s22+$0x0], $0xffff  }
0x191: {  	v56 =	vld.idx.msk [tilespmem:v22+s20+$0x0], $0xffff  }
0x192: {  	v22 =	vld.idx.msk [tilespmem:v22+s22+$0x0], $0xffff  }
0x193: {  	v26 =	vld.idx.msk [tilespmem:v2+s22+$0x0], $0xffff  }
0x194: {  	v2 =	vld.idx.msk [tilespmem:v2+s20+$0x0], $0xffff  }
0x195: {  	v8 =	vmul.f32 v12, v8;
	v58 =	vmul.f32 v13, v16  }
0x196: {  	v59 =	vmul.f32 v17, v14;
	v11 =	vmul.f32 v11, v18  }
0x197: {  	v8 =	vadd.f32 v58, v8;
	v6 =	vmul.f32 v6, v10;
	v60 =	vmul.f32 v54, v24  }
0x198: {  	v3 =	vadd.f32 v20, v3;
	v61 =	vmul.f32 v55, v25;
	v9 =	vmul.f32 v57, v23  }
0x199: {  	v7 =	vadd.f32 v8, v7;
	v62 =	vmul.f32 v22, v56;
	v2 =	vmul.f32 v26, v2  }
0x19a: {  	v6 =	vadd.f32 v11, v6;
	v10 =	vadd.f32 v59, v60  }
0x19b: {  	v9 =	vadd.f32 v61, v9;
	v2 =	vadd.f32 v2, v62  }
0x19c: {  	v4 =	vadd.f32 v6, v4;
	v5 =	vadd.f32 v10, v5  }
0x19d: {  	v3 =	vadd.f32 v9, v3;
	v2 =	vadd.f32 v2, v7  }
0x19e: {  	v63 =	vld [tilespmem:s0+$0x10480]  }
0x19f: {  	v4 =	vadd.f32 v5, v4;
	v2 =	vadd.f32 v2, v3  }
0x1a0: {  	v3 =	vld [tilespmem:s0+$0x10580]  }
0x1a1: {  	v2 =	vadd.f32 v2, v4;
	_ =	sdelay $0x1  }
0x1a2: {  	s12 =	sadd.s32 $0x1, s12;
	v2 =	vadd.f32 v63, v2  }
0x1a3: {  	p0 =	sne.s32 s12, $0x8  }
.Ltmp7:
0x1a4: {  	v2 =	vadd.f32 v3, v2;
	(pc) =	sbr.rel @p0 .LBB2_14-.Ltmp7, $3  }
0x1a5: {  	_ = 	snop  }
0x1a6: {  	v2 =	vadd.f32 v2, v1;
	_ =	sdelay $0x1  }
0x1a7: {  	[tilespmem:s0+$0x10780] =	vst v2  }
0x1a8: {  	s4 =	sadd.s32 $0x1, s4  }
0x1a9: {  	p0 =	sne.s32 s4, s11  }
.Ltmp8:
0x1aa: {  	s0 =	simm.s32 $0x10600;
	(pc) =	sbr.rel @p0 .LBB2_1-.Ltmp8, $4  }
0x1ab: {  	[hbm4b:s10+s5] =	stream.linear.scatter [tilespmem:s0], [sflag:$0x3], $0x200, $0x38;
	[tilespmem:$0x10880] =	vst v63  }
0x1ac: {  	_ =	swait.ge [sflag:s13], $0x200  }
0x1ad: {  	[sflag:s13] =	ssyncset.done $0x0  }
0x1ae: {  	[sflag:s13] =	ssyncadd.s32 $0xFFFFFE00  }
0x1af: {  	_ =	sfence.sel $0x180000  }
0x1b0: {  	[bflag:$0x0] =	sbarrier.arrive $0xFFFF  }
0x1b1: {  	_ =	strace $0x90000047  }
0x1b2: {  	s0 =	stileid.u32;
	[bflag:$0x2] =	sbarrier.arrive $0xFFFF  }
0x1b3: {  	p0 =	sne.s32 s0, $0x0;
	s0 =	rddreg [dreg:$0x6]  }
0x1b4: {  	s0 =	sadd.s32 @!p0 $0x100000, s0  }
0x1b5: {  	[sflag:s0] =	ssyncadd.tile.s32 @!p0 $0x1;
	_ =	shalt  }
.Lfunc_end2:
_tile_overlayer_lowered:
.L_overlay_start_2:
0x1b6: {  	(tag) =	ssettag $0x2  }
0x1b7: {  	s0 =	rddreg [dreg:$0x0];
	s2 =	stileid.u32  }
0x1b8: {  	s1 =	rddreg [dreg:$0x1];
	p0 =	sne.s32 s2, $0x0  }
0x1b9: {  	s3 =	rddreg [dreg:$0x2];
	[bflag:$0x3] =	sbarrier.arrive $0xFFFF;
	s2 =	simm.s32 @!p0 $0x1C03  }
0x1ba: {  	[timem:s3], [sflag:s2] =	dma.local @!p0 [hbm:s0], s1  }
0x1bb: {  	s0 =	simm.s32 @!p0 $0x3  }
0x1bc: {  	_ =	swait.ge @!p0 [sflag:s0], s1  }
0x1bd: {  	s1 =	ssub.s32 @!p0 $0x0, s1;
	[sflag:s0] =	ssyncset.done @!p0 $0x0  }
0x1be: {  	[sflag:s0] =	ssyncadd.s32 @!p0 s1  }
0x1bf: {  	[bflag:$0x3] =	sbarrier.arrive $0xFFFF  }
0x1c0: {  	_ =	shalt  }

</sc_bundles>
